<compile_context>
chip_gen: v7x
topology: tpu7x:2x2x1
jax: 0.10.2.dev20260603
libtpu: 0.0.44.dev20260713+nightly
codegen_flags: <defaults>
</compile_context>

<pallas_src>
import jax
import jax.numpy as jnp
from jax import lax
from jax.experimental import pallas as pl
from jax.experimental.pallas import tpu as pltpu
from jax.experimental.pallas import tpu_sc as plsc

D_VOCAB = 100000
D_MODEL = 768
BATCH = 4
SEQ_LEN = 8192

NC = 2
NS = 16
NW = NC * NS
B_TOTAL = BATCH * SEQ_LEN
B_PER_W = B_TOTAL // NW
CHUNK = 32
N_CHUNKS = B_PER_W // CHUNK
N_BUF = 4


def _embed_body(tokens_hbm, table_hbm, out_hbm, idx_v, *rest):
    bufs = rest[:N_BUF]
    gsems = rest[N_BUF:2 * N_BUF]
    wsems = rest[2 * N_BUF:3 * N_BUF]

    wid = lax.axis_index("s") * NC + lax.axis_index("c")
    w_per_row = SEQ_LEN // B_PER_W
    b_idx = wid // w_per_row
    col = (wid % w_per_row) * B_PER_W
    pltpu.sync_copy(tokens_hbm.at[b_idx, pl.ds(col, B_PER_W)], idx_v)

    def gather(g):
        return pltpu.async_copy(
            table_hbm.at[idx_v.at[pl.ds(g * CHUNK, CHUNK)]],
            bufs[g % N_BUF], gsems[g % N_BUF])

    def write(g):
        return pltpu.async_copy(
            bufs[g % N_BUF],
            out_hbm.at[b_idx, pl.ds(col + g * CHUNK, CHUNK)],
            wsems[g % N_BUF])

    gds = [None] * N_CHUNKS
    wds = [None] * N_CHUNKS
    gds[0] = gather(0)
    gds[1] = gather(1)
    for g in range(N_CHUNKS):
        if g + 2 < N_CHUNKS:
            gds[g + 2] = gather(g + 2)
        gds[g].wait()


@jax.jit
def _embed(tokens, table):
    mesh = plsc.VectorSubcoreMesh(core_axis_name="c", subcore_axis_name="s")
    return pl.kernel(
        _embed_body,
        out_type=jax.ShapeDtypeStruct((BATCH, SEQ_LEN, D_MODEL), jnp.float32),
        mesh=mesh,
        scratch_types=(
            [pltpu.VMEM((B_PER_W,), jnp.int32)]
            + [pltpu.VMEM((CHUNK, D_MODEL), jnp.float32)] * N_BUF
            + [pltpu.SemaphoreType.DMA] * (2 * N_BUF)
        ),
    )(tokens, table)


def kernel(tokens, token_to_embed_map):
    return _embed(tokens.astype(jnp.int32), token_to_embed_map)

# --- scband reference (transcript-rebuilt; emitter-appended) ---
"""Pipeline reference for scband-embedding-55886114456009 (READ-ONLY COPY).

The authoritative reference and input builder live on the scoring server;
editing this copy changes nothing except your own understanding.
"""

import jax, jax.numpy as jnp
import numpy as np

D_VOCAB = 100000
D_MODEL = 768
INIT_RANGE = 0.02
BATCH = 4
SEQ_LEN = 8192


def setup_inputs(seed: int = 0) -> dict:
    key = jax.random.key(seed)
    k_tok, k_tab = jax.random.split(key)
    tokens = jax.random.randint(k_tok, (BATCH, SEQ_LEN), 0, D_VOCAB, dtype=jnp.int64 if jax.config.jax_enable_x64 else jnp.int32)
    token_to_embed_map = jax.random.normal(k_tab, (D_VOCAB, D_MODEL), dtype=jnp.float32) * INIT_RANGE
    return {"tokens": tokens, "token_to_embed_map": token_to_embed_map}


def reference(tokens, token_to_embed_map):
    # Equivalent of self.token_to_embed_map[tokens, :]
    return jnp.take(token_to_embed_map, tokens, axis=0)

if __name__ == "__main__":
    import jax
    _d = setup_inputs()
    print(jax.jit(kernel)(*tuple(_d.values())))

</pallas_src>

<mosaic_0001>
#map = affine_map<(d0, d1) -> (0, 0)>
#map1 = affine_map<(d0, d1) -> (0, 0, 0)>
module attributes {stable_mosaic.version = 14 : i64} {
  func.func @_embed_body(%arg0: i32, %arg1: i32, %arg2: memref<4x8192xi32, #tpu.memory_space<hbm>>, %arg3: memref<100000x768xf32, #tpu.memory_space<hbm>>, %arg4: memref<4x8192x768xf32, #tpu.memory_space<hbm>>, %arg5: memref<1024xi32, #tpu.memory_space<vmem>>, %arg6: memref<32x768xf32, #tpu.memory_space<vmem>>, %arg7: memref<32x768xf32, #tpu.memory_space<vmem>>, %arg8: memref<32x768xf32, #tpu.memory_space<vmem>>, %arg9: memref<32x768xf32, #tpu.memory_space<vmem>>, %arg10: memref<!tpu.dma_semaphore, #tpu.memory_space<semaphore_mem>>, %arg11: memref<!tpu.dma_semaphore, #tpu.memory_space<semaphore_mem>>, %arg12: memref<!tpu.dma_semaphore, #tpu.memory_space<semaphore_mem>>, %arg13: memref<!tpu.dma_semaphore, #tpu.memory_space<semaphore_mem>>, %arg14: memref<!tpu.dma_semaphore, #tpu.memory_space<semaphore_mem>>, %arg15: memref<!tpu.dma_semaphore, #tpu.memory_space<semaphore_mem>>, %arg16: memref<!tpu.dma_semaphore, #tpu.memory_space<semaphore_mem>>, %arg17: memref<!tpu.dma_semaphore, #tpu.memory_space<semaphore_mem>>) attributes {dimension_semantics = [#tpu.dimension_semantics<core_parallel>, #tpu.dimension_semantics<subcore_parallel>], iteration_bounds = array<i64: 2, 16>, scalar_prefetch = 0 : i64, scratch_operands = 13 : i64, tpu.core_type = #tpu.core_type<sc_vector_subcore>, window_params = [{transform_indices = #map}, {transform_indices = #map}, {transform_indices = #map1}]} {
    %mul3A = arith.constant 2 : i32
    %mul3A_0 = arith.muli %arg1, %mul3A : i32
    %add3A = arith.addi %mul3A_0, %arg0 : i32
    %jit3A = arith.constant 8 : i32
    %div3A = arith.divsi %add3A, %jit3A : i32
    %sign3A = arith.constant 0 : i32
    %sign3A_1 = arith.cmpi sgt, %add3A, %sign3A : i32
    %sign3A_2 = arith.extui %sign3A_1 : i1 to i32
    %sign3A_3 = arith.constant 0 : i32
    %sign3A_4 = arith.cmpi slt, %add3A, %sign3A_3 : i32
    %sign3A_5 = arith.extui %sign3A_4 : i1 to i32
    %sign3A_6 = arith.subi %sign3A_2, %sign3A_5 : i32
    %sign3A_7 = arith.constant 0 : i32
    %sign3A_8 = arith.cmpi sgt, %jit3A, %sign3A_7 : i32
    %sign3A_9 = arith.extui %sign3A_8 : i1 to i32
    %sign3A_10 = arith.constant 0 : i32
    %sign3A_11 = arith.cmpi slt, %jit3A, %sign3A_10 : i32
    %sign3A_12 = arith.extui %sign3A_11 : i1 to i32
    %sign3A_13 = arith.subi %sign3A_9, %sign3A_12 : i32
    %ne3A = arith.cmpi ne, %sign3A_6, %sign3A_13 : i32
    %rem3A = arith.remsi %add3A, %jit3A : i32
    %ne3A_14 = arith.constant 0 : i32
    %ne3A_15 = arith.cmpi ne, %rem3A, %ne3A_14 : i32
    %and3A = arith.andi %ne3A, %ne3A_15 : i1
    %sub3A = arith.constant 1 : i32
    %sub3A_16 = arith.subi %div3A, %sub3A : i32
    %select_n3A = arith.select %and3A, %sub3A_16, %div3A : i32
    %jit3A_17 = arith.constant 8 : i32
    %eq3A = arith.constant 0 : i32
    %eq3A_18 = arith.cmpi eq, %jit3A_17, %eq3A : i32
    %jit3A_19 = arith.constant 1 : i32
    %select_n3A_20 = arith.select %eq3A_18, %jit3A_19, %jit3A_17 : i32
    %rem3A_21 = arith.remsi %add3A, %select_n3A_20 : i32
    %ne3A_22 = arith.constant 0 : i32
    %ne3A_23 = arith.cmpi ne, %rem3A_21, %ne3A_22 : i32
    %lt3A = arith.constant 0 : i32
    %lt3A_24 = arith.cmpi slt, %rem3A_21, %lt3A : i32
    %lt3A_25 = arith.constant 0 : i32
    %lt3A_26 = arith.cmpi slt, %select_n3A_20, %lt3A_25 : i32
    %ne3A_27 = arith.xori %lt3A_24, %lt3A_26 : i1
    %and3A_28 = arith.andi %ne3A_27, %ne3A_23 : i1
    %add3A_29 = arith.addi %rem3A_21, %select_n3A_20 : i32
    %select_n3A_30 = arith.select %and3A_28, %add3A_29, %rem3A_21 : i32
    %mul3A_31 = arith.constant 1024 : i32
    %mul3A_32 = arith.muli %select_n3A_30, %mul3A_31 : i32
    "tpu.region"() ({
      %run_scoped3A = tpu.sem_alloc : memref<!tpu.dma_semaphore, #tpu.memory_space<semaphore_mem>>
      %dma_start3A_351 = tpu.memref_slice %arg2[%select_n3A, %mul3A_32] : memref<4x8192xi32, #tpu.memory_space<hbm>> -> memref<1x1024xi32, #tpu.memory_space<hbm>>
      %dma_start3A_352 = tpu.memref_squeeze %dma_start3A_351 : memref<1x1024xi32, #tpu.memory_space<hbm>> -> memref<1024xi32, #tpu.memory_space<hbm>>
      %dma_start3A_353 = tpu.memref_slice %arg2[%select_n3A, %mul3A_32] : memref<4x8192xi32, #tpu.memory_space<hbm>> -> memref<1x1024xi32, #tpu.memory_space<hbm>>
      %dma_start3A_354 = tpu.memref_squeeze %dma_start3A_353 : memref<1x1024xi32, #tpu.memory_space<hbm>> -> memref<1024xi32, #tpu.memory_space<hbm>>
      tpu.enqueue_dma source(%dma_start3A_354 : memref<1024xi32, #tpu.memory_space<hbm>>) target(%arg5 : memref<1024xi32, #tpu.memory_space<vmem>>) target_semaphore(%run_scoped3A : memref<!tpu.dma_semaphore, #tpu.memory_space<semaphore_mem>>)
      %dma_wait3A_355 = tpu.memref_slice %arg2[%select_n3A, %mul3A_32] : memref<4x8192xi32, #tpu.memory_space<hbm>> -> memref<1x1024xi32, #tpu.memory_space<hbm>>
      %dma_wait3A_356 = tpu.memref_squeeze %dma_wait3A_355 : memref<1x1024xi32, #tpu.memory_space<hbm>> -> memref<1024xi32, #tpu.memory_space<hbm>>
      %dma_wait3A_357 = tpu.memref_slice %arg2[%select_n3A, %mul3A_32] : memref<4x8192xi32, #tpu.memory_space<hbm>> -> memref<1x1024xi32, #tpu.memory_space<hbm>>
      %dma_wait3A_358 = tpu.memref_squeeze %dma_wait3A_357 : memref<1x1024xi32, #tpu.memory_space<hbm>> -> memref<1024xi32, #tpu.memory_space<hbm>>
      tpu.wait_dma2 semaphore(%run_scoped3A : memref<!tpu.dma_semaphore, #tpu.memory_space<semaphore_mem>>) src(%dma_wait3A_358 : memref<1024xi32, #tpu.memory_space<hbm>>) dst(%arg5 : memref<1024xi32, #tpu.memory_space<vmem>>)
      tpu.yield
    }) : () -> ()
    %dma_start3A = arith.constant 0 : i32
    %dma_start3A_33 = tpu.memref_slice %arg5[%dma_start3A] : memref<1024xi32, #tpu.memory_space<vmem>> -> memref<32xi32, #tpu.memory_space<vmem>>
    %dma_start3A_34 = arith.constant 0 : i32
    %dma_start3A_35 = arith.constant 0 : i32
    %dma_start3A_36 = tpu.memref_slice %arg3[%dma_start3A_34, %dma_start3A_35] : memref<100000x768xf32, #tpu.memory_space<hbm>> -> memref<100000x768xf32, #tpu.memory_space<hbm>>
    tpu.enqueue_indirect_dma source(%dma_start3A_36 : memref<100000x768xf32, #tpu.memory_space<hbm>>) target(%arg6 : memref<32x768xf32, #tpu.memory_space<vmem>>) offsets(%dma_start3A_33 : memref<32xi32, #tpu.memory_space<vmem>>) semaphore(%arg10 : memref<!tpu.dma_semaphore, #tpu.memory_space<semaphore_mem>>)
    %dma_start3A_37 = arith.constant 32 : i32
    %dma_start3A_38 = tpu.memref_slice %arg5[%dma_start3A_37] : memref<1024xi32, #tpu.memory_space<vmem>> -> memref<32xi32, #tpu.memory_space<vmem>>
    %dma_start3A_39 = arith.constant 0 : i32
    %dma_start3A_40 = arith.constant 0 : i32
    %dma_start3A_41 = tpu.memref_slice %arg3[%dma_start3A_39, %dma_start3A_40] : memref<100000x768xf32, #tpu.memory_space<hbm>> -> memref<100000x768xf32, #tpu.memory_space<hbm>>
    tpu.enqueue_indirect_dma source(%dma_start3A_41 : memref<100000x768xf32, #tpu.memory_space<hbm>>) target(%arg7 : memref<32x768xf32, #tpu.memory_space<vmem>>) offsets(%dma_start3A_38 : memref<32xi32, #tpu.memory_space<vmem>>) semaphore(%arg11 : memref<!tpu.dma_semaphore, #tpu.memory_space<semaphore_mem>>)
    %dma_start3A_42 = arith.constant 64 : i32
    %dma_start3A_43 = tpu.memref_slice %arg5[%dma_start3A_42] : memref<1024xi32, #tpu.memory_space<vmem>> -> memref<32xi32, #tpu.memory_space<vmem>>
    %dma_start3A_44 = arith.constant 0 : i32
    %dma_start3A_45 = arith.constant 0 : i32
    %dma_start3A_46 = tpu.memref_slice %arg3[%dma_start3A_44, %dma_start3A_45] : memref<100000x768xf32, #tpu.memory_space<hbm>> -> memref<100000x768xf32, #tpu.memory_space<hbm>>
    tpu.enqueue_indirect_dma source(%dma_start3A_46 : memref<100000x768xf32, #tpu.memory_space<hbm>>) target(%arg8 : memref<32x768xf32, #tpu.memory_space<vmem>>) offsets(%dma_start3A_43 : memref<32xi32, #tpu.memory_space<vmem>>) semaphore(%arg12 : memref<!tpu.dma_semaphore, #tpu.memory_space<semaphore_mem>>)
    %dma_wait3A = arith.constant 0 : i32
    %dma_wait3A_47 = tpu.memref_slice %arg5[%dma_wait3A] : memref<1024xi32, #tpu.memory_space<vmem>> -> memref<32xi32, #tpu.memory_space<vmem>>
    %dma_wait3A_48 = arith.constant 0 : i32
    %dma_wait3A_49 = arith.constant 0 : i32
    %dma_wait3A_50 = tpu.memref_slice %arg3[%dma_wait3A_48, %dma_wait3A_49] : memref<100000x768xf32, #tpu.memory_space<hbm>> -> memref<100000x768xf32, #tpu.memory_space<hbm>>
    tpu.wait_indirect_dma semaphore(%arg10 : memref<!tpu.dma_semaphore, #tpu.memory_space<semaphore_mem>>) src(%dma_wait3A_50 : memref<100000x768xf32, #tpu.memory_space<hbm>>) dst(%arg6 : memref<32x768xf32, #tpu.memory_space<vmem>>)
    %dma_start3A_51 = arith.constant 96 : i32
    %dma_start3A_52 = tpu.memref_slice %arg5[%dma_start3A_51] : memref<1024xi32, #tpu.memory_space<vmem>> -> memref<32xi32, #tpu.memory_space<vmem>>
    %dma_start3A_53 = arith.constant 0 : i32
    %dma_start3A_54 = arith.constant 0 : i32
    %dma_start3A_55 = tpu.memref_slice %arg3[%dma_start3A_53, %dma_start3A_54] : memref<100000x768xf32, #tpu.memory_space<hbm>> -> memref<100000x768xf32, #tpu.memory_space<hbm>>
    tpu.enqueue_indirect_dma source(%dma_start3A_55 : memref<100000x768xf32, #tpu.memory_space<hbm>>) target(%arg9 : memref<32x768xf32, #tpu.memory_space<vmem>>) offsets(%dma_start3A_52 : memref<32xi32, #tpu.memory_space<vmem>>) semaphore(%arg13 : memref<!tpu.dma_semaphore, #tpu.memory_space<semaphore_mem>>)
    %dma_wait3A_56 = arith.constant 32 : i32
    %dma_wait3A_57 = tpu.memref_slice %arg5[%dma_wait3A_56] : memref<1024xi32, #tpu.memory_space<vmem>> -> memref<32xi32, #tpu.memory_space<vmem>>
    %dma_wait3A_58 = arith.constant 0 : i32
    %dma_wait3A_59 = arith.constant 0 : i32
    %dma_wait3A_60 = tpu.memref_slice %arg3[%dma_wait3A_58, %dma_wait3A_59] : memref<100000x768xf32, #tpu.memory_space<hbm>> -> memref<100000x768xf32, #tpu.memory_space<hbm>>
    tpu.wait_indirect_dma semaphore(%arg11 : memref<!tpu.dma_semaphore, #tpu.memory_space<semaphore_mem>>) src(%dma_wait3A_60 : memref<100000x768xf32, #tpu.memory_space<hbm>>) dst(%arg7 : memref<32x768xf32, #tpu.memory_space<vmem>>)
    %dma_start3A_61 = arith.constant 128 : i32
    %dma_start3A_62 = tpu.memref_slice %arg5[%dma_start3A_61] : memref<1024xi32, #tpu.memory_space<vmem>> -> memref<32xi32, #tpu.memory_space<vmem>>
    %dma_start3A_63 = arith.constant 0 : i32
    %dma_start3A_64 = arith.constant 0 : i32
    %dma_start3A_65 = tpu.memref_slice %arg3[%dma_start3A_63, %dma_start3A_64] : memref<100000x768xf32, #tpu.memory_space<hbm>> -> memref<100000x768xf32, #tpu.memory_space<hbm>>
    tpu.enqueue_indirect_dma source(%dma_start3A_65 : memref<100000x768xf32, #tpu.memory_space<hbm>>) target(%arg6 : memref<32x768xf32, #tpu.memory_space<vmem>>) offsets(%dma_start3A_62 : memref<32xi32, #tpu.memory_space<vmem>>) semaphore(%arg10 : memref<!tpu.dma_semaphore, #tpu.memory_space<semaphore_mem>>)
    %dma_wait3A_66 = arith.constant 64 : i32
    %dma_wait3A_67 = tpu.memref_slice %arg5[%dma_wait3A_66] : memref<1024xi32, #tpu.memory_space<vmem>> -> memref<32xi32, #tpu.memory_space<vmem>>
    %dma_wait3A_68 = arith.constant 0 : i32
    %dma_wait3A_69 = arith.constant 0 : i32
    %dma_wait3A_70 = tpu.memref_slice %arg3[%dma_wait3A_68, %dma_wait3A_69] : memref<100000x768xf32, #tpu.memory_space<hbm>> -> memref<100000x768xf32, #tpu.memory_space<hbm>>
    tpu.wait_indirect_dma semaphore(%arg12 : memref<!tpu.dma_semaphore, #tpu.memory_space<semaphore_mem>>) src(%dma_wait3A_70 : memref<100000x768xf32, #tpu.memory_space<hbm>>) dst(%arg8 : memref<32x768xf32, #tpu.memory_space<vmem>>)
    %dma_start3A_71 = arith.constant 160 : i32
    %dma_start3A_72 = tpu.memref_slice %arg5[%dma_start3A_71] : memref<1024xi32, #tpu.memory_space<vmem>> -> memref<32xi32, #tpu.memory_space<vmem>>
    %dma_start3A_73 = arith.constant 0 : i32
    %dma_start3A_74 = arith.constant 0 : i32
    %dma_start3A_75 = tpu.memref_slice %arg3[%dma_start3A_73, %dma_start3A_74] : memref<100000x768xf32, #tpu.memory_space<hbm>> -> memref<100000x768xf32, #tpu.memory_space<hbm>>
    tpu.enqueue_indirect_dma source(%dma_start3A_75 : memref<100000x768xf32, #tpu.memory_space<hbm>>) target(%arg7 : memref<32x768xf32, #tpu.memory_space<vmem>>) offsets(%dma_start3A_72 : memref<32xi32, #tpu.memory_space<vmem>>) semaphore(%arg11 : memref<!tpu.dma_semaphore, #tpu.memory_space<semaphore_mem>>)
    %dma_wait3A_76 = arith.constant 96 : i32
    %dma_wait3A_77 = tpu.memref_slice %arg5[%dma_wait3A_76] : memref<1024xi32, #tpu.memory_space<vmem>> -> memref<32xi32, #tpu.memory_space<vmem>>
    %dma_wait3A_78 = arith.constant 0 : i32
    %dma_wait3A_79 = arith.constant 0 : i32
    %dma_wait3A_80 = tpu.memref_slice %arg3[%dma_wait3A_78, %dma_wait3A_79] : memref<100000x768xf32, #tpu.memory_space<hbm>> -> memref<100000x768xf32, #tpu.memory_space<hbm>>
    tpu.wait_indirect_dma semaphore(%arg13 : memref<!tpu.dma_semaphore, #tpu.memory_space<semaphore_mem>>) src(%dma_wait3A_80 : memref<100000x768xf32, #tpu.memory_space<hbm>>) dst(%arg9 : memref<32x768xf32, #tpu.memory_space<vmem>>)
    %dma_start3A_81 = arith.constant 192 : i32
    %dma_start3A_82 = tpu.memref_slice %arg5[%dma_start3A_81] : memref<1024xi32, #tpu.memory_space<vmem>> -> memref<32xi32, #tpu.memory_space<vmem>>
    %dma_start3A_83 = arith.constant 0 : i32
    %dma_start3A_84 = arith.constant 0 : i32
    %dma_start3A_85 = tpu.memref_slice %arg3[%dma_start3A_83, %dma_start3A_84] : memref<100000x768xf32, #tpu.memory_space<hbm>> -> memref<100000x768xf32, #tpu.memory_space<hbm>>
    tpu.enqueue_indirect_dma source(%dma_start3A_85 : memref<100000x768xf32, #tpu.memory_space<hbm>>) target(%arg8 : memref<32x768xf32, #tpu.memory_space<vmem>>) offsets(%dma_start3A_82 : memref<32xi32, #tpu.memory_space<vmem>>) semaphore(%arg12 : memref<!tpu.dma_semaphore, #tpu.memory_space<semaphore_mem>>)
    %dma_wait3A_86 = arith.constant 128 : i32
    %dma_wait3A_87 = tpu.memref_slice %arg5[%dma_wait3A_86] : memref<1024xi32, #tpu.memory_space<vmem>> -> memref<32xi32, #tpu.memory_space<vmem>>
    %dma_wait3A_88 = arith.constant 0 : i32
    %dma_wait3A_89 = arith.constant 0 : i32
    %dma_wait3A_90 = tpu.memref_slice %arg3[%dma_wait3A_88, %dma_wait3A_89] : memref<100000x768xf32, #tpu.memory_space<hbm>> -> memref<100000x768xf32, #tpu.memory_space<hbm>>
    tpu.wait_indirect_dma semaphore(%arg10 : memref<!tpu.dma_semaphore, #tpu.memory_space<semaphore_mem>>) src(%dma_wait3A_90 : memref<100000x768xf32, #tpu.memory_space<hbm>>) dst(%arg6 : memref<32x768xf32, #tpu.memory_space<vmem>>)
    %dma_start3A_91 = arith.constant 224 : i32
    %dma_start3A_92 = tpu.memref_slice %arg5[%dma_start3A_91] : memref<1024xi32, #tpu.memory_space<vmem>> -> memref<32xi32, #tpu.memory_space<vmem>>
    %dma_start3A_93 = arith.constant 0 : i32
    %dma_start3A_94 = arith.constant 0 : i32
    %dma_start3A_95 = tpu.memref_slice %arg3[%dma_start3A_93, %dma_start3A_94] : memref<100000x768xf32, #tpu.memory_space<hbm>> -> memref<100000x768xf32, #tpu.memory_space<hbm>>
    tpu.enqueue_indirect_dma source(%dma_start3A_95 : memref<100000x768xf32, #tpu.memory_space<hbm>>) target(%arg9 : memref<32x768xf32, #tpu.memory_space<vmem>>) offsets(%dma_start3A_92 : memref<32xi32, #tpu.memory_space<vmem>>) semaphore(%arg13 : memref<!tpu.dma_semaphore, #tpu.memory_space<semaphore_mem>>)
    %dma_wait3A_96 = arith.constant 160 : i32
    %dma_wait3A_97 = tpu.memref_slice %arg5[%dma_wait3A_96] : memref<1024xi32, #tpu.memory_space<vmem>> -> memref<32xi32, #tpu.memory_space<vmem>>
    %dma_wait3A_98 = arith.constant 0 : i32
    %dma_wait3A_99 = arith.constant 0 : i32
    %dma_wait3A_100 = tpu.memref_slice %arg3[%dma_wait3A_98, %dma_wait3A_99] : memref<100000x768xf32, #tpu.memory_space<hbm>> -> memref<100000x768xf32, #tpu.memory_space<hbm>>
    tpu.wait_indirect_dma semaphore(%arg11 : memref<!tpu.dma_semaphore, #tpu.memory_space<semaphore_mem>>) src(%dma_wait3A_100 : memref<100000x768xf32, #tpu.memory_space<hbm>>) dst(%arg7 : memref<32x768xf32, #tpu.memory_space<vmem>>)
    %dma_start3A_101 = arith.constant 256 : i32
    %dma_start3A_102 = tpu.memref_slice %arg5[%dma_start3A_101] : memref<1024xi32, #tpu.memory_space<vmem>> -> memref<32xi32, #tpu.memory_space<vmem>>
    %dma_start3A_103 = arith.constant 0 : i32
    %dma_start3A_104 = arith.constant 0 : i32
    %dma_start3A_105 = tpu.memref_slice %arg3[%dma_start3A_103, %dma_start3A_104] : memref<100000x768xf32, #tpu.memory_space<hbm>> -> memref<100000x768xf32, #tpu.memory_space<hbm>>
    tpu.enqueue_indirect_dma source(%dma_start3A_105 : memref<100000x768xf32, #tpu.memory_space<hbm>>) target(%arg6 : memref<32x768xf32, #tpu.memory_space<vmem>>) offsets(%dma_start3A_102 : memref<32xi32, #tpu.memory_space<vmem>>) semaphore(%arg10 : memref<!tpu.dma_semaphore, #tpu.memory_space<semaphore_mem>>)
    %dma_wait3A_106 = arith.constant 192 : i32
    %dma_wait3A_107 = tpu.memref_slice %arg5[%dma_wait3A_106] : memref<1024xi32, #tpu.memory_space<vmem>> -> memref<32xi32, #tpu.memory_space<vmem>>
    %dma_wait3A_108 = arith.constant 0 : i32
    %dma_wait3A_109 = arith.constant 0 : i32
    %dma_wait3A_110 = tpu.memref_slice %arg3[%dma_wait3A_108, %dma_wait3A_109] : memref<100000x768xf32, #tpu.memory_space<hbm>> -> memref<100000x768xf32, #tpu.memory_space<hbm>>
    tpu.wait_indirect_dma semaphore(%arg12 : memref<!tpu.dma_semaphore, #tpu.memory_space<semaphore_mem>>) src(%dma_wait3A_110 : memref<100000x768xf32, #tpu.memory_space<hbm>>) dst(%arg8 : memref<32x768xf32, #tpu.memory_space<vmem>>)
    %dma_start3A_111 = arith.constant 288 : i32
    %dma_start3A_112 = tpu.memref_slice %arg5[%dma_start3A_111] : memref<1024xi32, #tpu.memory_space<vmem>> -> memref<32xi32, #tpu.memory_space<vmem>>
    %dma_start3A_113 = arith.constant 0 : i32
    %dma_start3A_114 = arith.constant 0 : i32
    %dma_start3A_115 = tpu.memref_slice %arg3[%dma_start3A_113, %dma_start3A_114] : memref<100000x768xf32, #tpu.memory_space<hbm>> -> memref<100000x768xf32, #tpu.memory_space<hbm>>
    tpu.enqueue_indirect_dma source(%dma_start3A_115 : memref<100000x768xf32, #tpu.memory_space<hbm>>) target(%arg7 : memref<32x768xf32, #tpu.memory_space<vmem>>) offsets(%dma_start3A_112 : memref<32xi32, #tpu.memory_space<vmem>>) semaphore(%arg11 : memref<!tpu.dma_semaphore, #tpu.memory_space<semaphore_mem>>)
    %dma_wait3A_116 = arith.constant 224 : i32
    %dma_wait3A_117 = tpu.memref_slice %arg5[%dma_wait3A_116] : memref<1024xi32, #tpu.memory_space<vmem>> -> memref<32xi32, #tpu.memory_space<vmem>>
    %dma_wait3A_118 = arith.constant 0 : i32
    %dma_wait3A_119 = arith.constant 0 : i32
    %dma_wait3A_120 = tpu.memref_slice %arg3[%dma_wait3A_118, %dma_wait3A_119] : memref<100000x768xf32, #tpu.memory_space<hbm>> -> memref<100000x768xf32, #tpu.memory_space<hbm>>
    tpu.wait_indirect_dma semaphore(%arg13 : memref<!tpu.dma_semaphore, #tpu.memory_space<semaphore_mem>>) src(%dma_wait3A_120 : memref<100000x768xf32, #tpu.memory_space<hbm>>) dst(%arg9 : memref<32x768xf32, #tpu.memory_space<vmem>>)
    %dma_start3A_121 = arith.constant 320 : i32
    %dma_start3A_122 = tpu.memref_slice %arg5[%dma_start3A_121] : memref<1024xi32, #tpu.memory_space<vmem>> -> memref<32xi32, #tpu.memory_space<vmem>>
    %dma_start3A_123 = arith.constant 0 : i32
    %dma_start3A_124 = arith.constant 0 : i32
    %dma_start3A_125 = tpu.memref_slice %arg3[%dma_start3A_123, %dma_start3A_124] : memref<100000x768xf32, #tpu.memory_space<hbm>> -> memref<100000x768xf32, #tpu.memory_space<hbm>>
    tpu.enqueue_indirect_dma source(%dma_start3A_125 : memref<100000x768xf32, #tpu.memory_space<hbm>>) target(%arg8 : memref<32x768xf32, #tpu.memory_space<vmem>>) offsets(%dma_start3A_122 : memref<32xi32, #tpu.memory_space<vmem>>) semaphore(%arg12 : memref<!tpu.dma_semaphore, #tpu.memory_space<semaphore_mem>>)
    %dma_wait3A_126 = arith.constant 256 : i32
    %dma_wait3A_127 = tpu.memref_slice %arg5[%dma_wait3A_126] : memref<1024xi32, #tpu.memory_space<vmem>> -> memref<32xi32, #tpu.memory_space<vmem>>
    %dma_wait3A_128 = arith.constant 0 : i32
    %dma_wait3A_129 = arith.constant 0 : i32
    %dma_wait3A_130 = tpu.memref_slice %arg3[%dma_wait3A_128, %dma_wait3A_129] : memref<100000x768xf32, #tpu.memory_space<hbm>> -> memref<100000x768xf32, #tpu.memory_space<hbm>>
    tpu.wait_indirect_dma semaphore(%arg10 : memref<!tpu.dma_semaphore, #tpu.memory_space<semaphore_mem>>) src(%dma_wait3A_130 : memref<100000x768xf32, #tpu.memory_space<hbm>>) dst(%arg6 : memref<32x768xf32, #tpu.memory_space<vmem>>)
    %dma_start3A_131 = arith.constant 352 : i32
    %dma_start3A_132 = tpu.memref_slice %arg5[%dma_start3A_131] : memref<1024xi32, #tpu.memory_space<vmem>> -> memref<32xi32, #tpu.memory_space<vmem>>
    %dma_start3A_133 = arith.constant 0 : i32
    %dma_start3A_134 = arith.constant 0 : i32
    %dma_start3A_135 = tpu.memref_slice %arg3[%dma_start3A_133, %dma_start3A_134] : memref<100000x768xf32, #tpu.memory_space<hbm>> -> memref<100000x768xf32, #tpu.memory_space<hbm>>
    tpu.enqueue_indirect_dma source(%dma_start3A_135 : memref<100000x768xf32, #tpu.memory_space<hbm>>) target(%arg9 : memref<32x768xf32, #tpu.memory_space<vmem>>) offsets(%dma_start3A_132 : memref<32xi32, #tpu.memory_space<vmem>>) semaphore(%arg13 : memref<!tpu.dma_semaphore, #tpu.memory_space<semaphore_mem>>)
    %dma_wait3A_136 = arith.constant 288 : i32
    %dma_wait3A_137 = tpu.memref_slice %arg5[%dma_wait3A_136] : memref<1024xi32, #tpu.memory_space<vmem>> -> memref<32xi32, #tpu.memory_space<vmem>>
    %dma_wait3A_138 = arith.constant 0 : i32
    %dma_wait3A_139 = arith.constant 0 : i32
    %dma_wait3A_140 = tpu.memref_slice %arg3[%dma_wait3A_138, %dma_wait3A_139] : memref<100000x768xf32, #tpu.memory_space<hbm>> -> memref<100000x768xf32, #tpu.memory_space<hbm>>
    tpu.wait_indirect_dma semaphore(%arg11 : memref<!tpu.dma_semaphore, #tpu.memory_space<semaphore_mem>>) src(%dma_wait3A_140 : memref<100000x768xf32, #tpu.memory_space<hbm>>) dst(%arg7 : memref<32x768xf32, #tpu.memory_space<vmem>>)
    %dma_start3A_141 = arith.constant 384 : i32
    %dma_start3A_142 = tpu.memref_slice %arg5[%dma_start3A_141] : memref<1024xi32, #tpu.memory_space<vmem>> -> memref<32xi32, #tpu.memory_space<vmem>>
    %dma_start3A_143 = arith.constant 0 : i32
    %dma_start3A_144 = arith.constant 0 : i32
    %dma_start3A_145 = tpu.memref_slice %arg3[%dma_start3A_143, %dma_start3A_144] : memref<100000x768xf32, #tpu.memory_space<hbm>> -> memref<100000x768xf32, #tpu.memory_space<hbm>>
    tpu.enqueue_indirect_dma source(%dma_start3A_145 : memref<100000x768xf32, #tpu.memory_space<hbm>>) target(%arg6 : memref<32x768xf32, #tpu.memory_space<vmem>>) offsets(%dma_start3A_142 : memref<32xi32, #tpu.memory_space<vmem>>) semaphore(%arg10 : memref<!tpu.dma_semaphore, #tpu.memory_space<semaphore_mem>>)
    %dma_wait3A_146 = arith.constant 320 : i32
    %dma_wait3A_147 = tpu.memref_slice %arg5[%dma_wait3A_146] : memref<1024xi32, #tpu.memory_space<vmem>> -> memref<32xi32, #tpu.memory_space<vmem>>
    %dma_wait3A_148 = arith.constant 0 : i32
    %dma_wait3A_149 = arith.constant 0 : i32
    %dma_wait3A_150 = tpu.memref_slice %arg3[%dma_wait3A_148, %dma_wait3A_149] : memref<100000x768xf32, #tpu.memory_space<hbm>> -> memref<100000x768xf32, #tpu.memory_space<hbm>>
    tpu.wait_indirect_dma semaphore(%arg12 : memref<!tpu.dma_semaphore, #tpu.memory_space<semaphore_mem>>) src(%dma_wait3A_150 : memref<100000x768xf32, #tpu.memory_space<hbm>>) dst(%arg8 : memref<32x768xf32, #tpu.memory_space<vmem>>)
    %dma_start3A_151 = arith.constant 416 : i32
    %dma_start3A_152 = tpu.memref_slice %arg5[%dma_start3A_151] : memref<1024xi32, #tpu.memory_space<vmem>> -> memref<32xi32, #tpu.memory_space<vmem>>
    %dma_start3A_153 = arith.constant 0 : i32
    %dma_start3A_154 = arith.constant 0 : i32
    %dma_start3A_155 = tpu.memref_slice %arg3[%dma_start3A_153, %dma_start3A_154] : memref<100000x768xf32, #tpu.memory_space<hbm>> -> memref<100000x768xf32, #tpu.memory_space<hbm>>
    tpu.enqueue_indirect_dma source(%dma_start3A_155 : memref<100000x768xf32, #tpu.memory_space<hbm>>) target(%arg7 : memref<32x768xf32, #tpu.memory_space<vmem>>) offsets(%dma_start3A_152 : memref<32xi32, #tpu.memory_space<vmem>>) semaphore(%arg11 : memref<!tpu.dma_semaphore, #tpu.memory_space<semaphore_mem>>)
    %dma_wait3A_156 = arith.constant 352 : i32
    %dma_wait3A_157 = tpu.memref_slice %arg5[%dma_wait3A_156] : memref<1024xi32, #tpu.memory_space<vmem>> -> memref<32xi32, #tpu.memory_space<vmem>>
    %dma_wait3A_158 = arith.constant 0 : i32
    %dma_wait3A_159 = arith.constant 0 : i32
    %dma_wait3A_160 = tpu.memref_slice %arg3[%dma_wait3A_158, %dma_wait3A_159] : memref<100000x768xf32, #tpu.memory_space<hbm>> -> memref<100000x768xf32, #tpu.memory_space<hbm>>
    tpu.wait_indirect_dma semaphore(%arg13 : memref<!tpu.dma_semaphore, #tpu.memory_space<semaphore_mem>>) src(%dma_wait3A_160 : memref<100000x768xf32, #tpu.memory_space<hbm>>) dst(%arg9 : memref<32x768xf32, #tpu.memory_space<vmem>>)
    %dma_start3A_161 = arith.constant 448 : i32
    %dma_start3A_162 = tpu.memref_slice %arg5[%dma_start3A_161] : memref<1024xi32, #tpu.memory_space<vmem>> -> memref<32xi32, #tpu.memory_space<vmem>>
    %dma_start3A_163 = arith.constant 0 : i32
    %dma_start3A_164 = arith.constant 0 : i32
    %dma_start3A_165 = tpu.memref_slice %arg3[%dma_start3A_163, %dma_start3A_164] : memref<100000x768xf32, #tpu.memory_space<hbm>> -> memref<100000x768xf32, #tpu.memory_space<hbm>>
    tpu.enqueue_indirect_dma source(%dma_start3A_165 : memref<100000x768xf32, #tpu.memory_space<hbm>>) target(%arg8 : memref<32x768xf32, #tpu.memory_space<vmem>>) offsets(%dma_start3A_162 : memref<32xi32, #tpu.memory_space<vmem>>) semaphore(%arg12 : memref<!tpu.dma_semaphore, #tpu.memory_space<semaphore_mem>>)
    %dma_wait3A_166 = arith.constant 384 : i32
    %dma_wait3A_167 = tpu.memref_slice %arg5[%dma_wait3A_166] : memref<1024xi32, #tpu.memory_space<vmem>> -> memref<32xi32, #tpu.memory_space<vmem>>
    %dma_wait3A_168 = arith.constant 0 : i32
    %dma_wait3A_169 = arith.constant 0 : i32
    %dma_wait3A_170 = tpu.memref_slice %arg3[%dma_wait3A_168, %dma_wait3A_169] : memref<100000x768xf32, #tpu.memory_space<hbm>> -> memref<100000x768xf32, #tpu.memory_space<hbm>>
    tpu.wait_indirect_dma semaphore(%arg10 : memref<!tpu.dma_semaphore, #tpu.memory_space<semaphore_mem>>) src(%dma_wait3A_170 : memref<100000x768xf32, #tpu.memory_space<hbm>>) dst(%arg6 : memref<32x768xf32, #tpu.memory_space<vmem>>)
    %dma_start3A_171 = arith.constant 480 : i32
    %dma_start3A_172 = tpu.memref_slice %arg5[%dma_start3A_171] : memref<1024xi32, #tpu.memory_space<vmem>> -> memref<32xi32, #tpu.memory_space<vmem>>
    %dma_start3A_173 = arith.constant 0 : i32
    %dma_start3A_174 = arith.constant 0 : i32
    %dma_start3A_175 = tpu.memref_slice %arg3[%dma_start3A_173, %dma_start3A_174] : memref<100000x768xf32, #tpu.memory_space<hbm>> -> memref<100000x768xf32, #tpu.memory_space<hbm>>
    tpu.enqueue_indirect_dma source(%dma_start3A_175 : memref<100000x768xf32, #tpu.memory_space<hbm>>) target(%arg9 : memref<32x768xf32, #tpu.memory_space<vmem>>) offsets(%dma_start3A_172 : memref<32xi32, #tpu.memory_space<vmem>>) semaphore(%arg13 : memref<!tpu.dma_semaphore, #tpu.memory_space<semaphore_mem>>)
    %dma_wait3A_176 = arith.constant 416 : i32
    %dma_wait3A_177 = tpu.memref_slice %arg5[%dma_wait3A_176] : memref<1024xi32, #tpu.memory_space<vmem>> -> memref<32xi32, #tpu.memory_space<vmem>>
    %dma_wait3A_178 = arith.constant 0 : i32
    %dma_wait3A_179 = arith.constant 0 : i32
    %dma_wait3A_180 = tpu.memref_slice %arg3[%dma_wait3A_178, %dma_wait3A_179] : memref<100000x768xf32, #tpu.memory_space<hbm>> -> memref<100000x768xf32, #tpu.memory_space<hbm>>
    tpu.wait_indirect_dma semaphore(%arg11 : memref<!tpu.dma_semaphore, #tpu.memory_space<semaphore_mem>>) src(%dma_wait3A_180 : memref<100000x768xf32, #tpu.memory_space<hbm>>) dst(%arg7 : memref<32x768xf32, #tpu.memory_space<vmem>>)
    %dma_start3A_181 = arith.constant 512 : i32
    %dma_start3A_182 = tpu.memref_slice %arg5[%dma_start3A_181] : memref<1024xi32, #tpu.memory_space<vmem>> -> memref<32xi32, #tpu.memory_space<vmem>>
    %dma_start3A_183 = arith.constant 0 : i32
    %dma_start3A_184 = arith.constant 0 : i32
    %dma_start3A_185 = tpu.memref_slice %arg3[%dma_start3A_183, %dma_start3A_184] : memref<100000x768xf32, #tpu.memory_space<hbm>> -> memref<100000x768xf32, #tpu.memory_space<hbm>>
    tpu.enqueue_indirect_dma source(%dma_start3A_185 : memref<100000x768xf32, #tpu.memory_space<hbm>>) target(%arg6 : memref<32x768xf32, #tpu.memory_space<vmem>>) offsets(%dma_start3A_182 : memref<32xi32, #tpu.memory_space<vmem>>) semaphore(%arg10 : memref<!tpu.dma_semaphore, #tpu.memory_space<semaphore_mem>>)
    %dma_wait3A_186 = arith.constant 448 : i32
    %dma_wait3A_187 = tpu.memref_slice %arg5[%dma_wait3A_186] : memref<1024xi32, #tpu.memory_space<vmem>> -> memref<32xi32, #tpu.memory_space<vmem>>
    %dma_wait3A_188 = arith.constant 0 : i32
    %dma_wait3A_189 = arith.constant 0 : i32
    %dma_wait3A_190 = tpu.memref_slice %arg3[%dma_wait3A_188, %dma_wait3A_189] : memref<100000x768xf32, #tpu.memory_space<hbm>> -> memref<100000x768xf32, #tpu.memory_space<hbm>>
    tpu.wait_indirect_dma semaphore(%arg12 : memref<!tpu.dma_semaphore, #tpu.memory_space<semaphore_mem>>) src(%dma_wait3A_190 : memref<100000x768xf32, #tpu.memory_space<hbm>>) dst(%arg8 : memref<32x768xf32, #tpu.memory_space<vmem>>)
    %dma_start3A_191 = arith.constant 544 : i32
    %dma_start3A_192 = tpu.memref_slice %arg5[%dma_start3A_191] : memref<1024xi32, #tpu.memory_space<vmem>> -> memref<32xi32, #tpu.memory_space<vmem>>
    %dma_start3A_193 = arith.constant 0 : i32
    %dma_start3A_194 = arith.constant 0 : i32
    %dma_start3A_195 = tpu.memref_slice %arg3[%dma_start3A_193, %dma_start3A_194] : memref<100000x768xf32, #tpu.memory_space<hbm>> -> memref<100000x768xf32, #tpu.memory_space<hbm>>
    tpu.enqueue_indirect_dma source(%dma_start3A_195 : memref<100000x768xf32, #tpu.memory_space<hbm>>) target(%arg7 : memref<32x768xf32, #tpu.memory_space<vmem>>) offsets(%dma_start3A_192 : memref<32xi32, #tpu.memory_space<vmem>>) semaphore(%arg11 : memref<!tpu.dma_semaphore, #tpu.memory_space<semaphore_mem>>)
    %dma_wait3A_196 = arith.constant 480 : i32
    %dma_wait3A_197 = tpu.memref_slice %arg5[%dma_wait3A_196] : memref<1024xi32, #tpu.memory_space<vmem>> -> memref<32xi32, #tpu.memory_space<vmem>>
    %dma_wait3A_198 = arith.constant 0 : i32
    %dma_wait3A_199 = arith.constant 0 : i32
    %dma_wait3A_200 = tpu.memref_slice %arg3[%dma_wait3A_198, %dma_wait3A_199] : memref<100000x768xf32, #tpu.memory_space<hbm>> -> memref<100000x768xf32, #tpu.memory_space<hbm>>
    tpu.wait_indirect_dma semaphore(%arg13 : memref<!tpu.dma_semaphore, #tpu.memory_space<semaphore_mem>>) src(%dma_wait3A_200 : memref<100000x768xf32, #tpu.memory_space<hbm>>) dst(%arg9 : memref<32x768xf32, #tpu.memory_space<vmem>>)
    %dma_start3A_201 = arith.constant 576 : i32
    %dma_start3A_202 = tpu.memref_slice %arg5[%dma_start3A_201] : memref<1024xi32, #tpu.memory_space<vmem>> -> memref<32xi32, #tpu.memory_space<vmem>>
    %dma_start3A_203 = arith.constant 0 : i32
    %dma_start3A_204 = arith.constant 0 : i32
    %dma_start3A_205 = tpu.memref_slice %arg3[%dma_start3A_203, %dma_start3A_204] : memref<100000x768xf32, #tpu.memory_space<hbm>> -> memref<100000x768xf32, #tpu.memory_space<hbm>>
    tpu.enqueue_indirect_dma source(%dma_start3A_205 : memref<100000x768xf32, #tpu.memory_space<hbm>>) target(%arg8 : memref<32x768xf32, #tpu.memory_space<vmem>>) offsets(%dma_start3A_202 : memref<32xi32, #tpu.memory_space<vmem>>) semaphore(%arg12 : memref<!tpu.dma_semaphore, #tpu.memory_space<semaphore_mem>>)
    %dma_wait3A_206 = arith.constant 512 : i32
    %dma_wait3A_207 = tpu.memref_slice %arg5[%dma_wait3A_206] : memref<1024xi32, #tpu.memory_space<vmem>> -> memref<32xi32, #tpu.memory_space<vmem>>
    %dma_wait3A_208 = arith.constant 0 : i32
    %dma_wait3A_209 = arith.constant 0 : i32
    %dma_wait3A_210 = tpu.memref_slice %arg3[%dma_wait3A_208, %dma_wait3A_209] : memref<100000x768xf32, #tpu.memory_space<hbm>> -> memref<100000x768xf32, #tpu.memory_space<hbm>>
    tpu.wait_indirect_dma semaphore(%arg10 : memref<!tpu.dma_semaphore, #tpu.memory_space<semaphore_mem>>) src(%dma_wait3A_210 : memref<100000x768xf32, #tpu.memory_space<hbm>>) dst(%arg6 : memref<32x768xf32, #tpu.memory_space<vmem>>)
    %dma_start3A_211 = arith.constant 608 : i32
    %dma_start3A_212 = tpu.memref_slice %arg5[%dma_start3A_211] : memref<1024xi32, #tpu.memory_space<vmem>> -> memref<32xi32, #tpu.memory_space<vmem>>
    %dma_start3A_213 = arith.constant 0 : i32
    %dma_start3A_214 = arith.constant 0 : i32
    %dma_start3A_215 = tpu.memref_slice %arg3[%dma_start3A_213, %dma_start3A_214] : memref<100000x768xf32, #tpu.memory_space<hbm>> -> memref<100000x768xf32, #tpu.memory_space<hbm>>
    tpu.enqueue_indirect_dma source(%dma_start3A_215 : memref<100000x768xf32, #tpu.memory_space<hbm>>) target(%arg9 : memref<32x768xf32, #tpu.memory_space<vmem>>) offsets(%dma_start3A_212 : memref<32xi32, #tpu.memory_space<vmem>>) semaphore(%arg13 : memref<!tpu.dma_semaphore, #tpu.memory_space<semaphore_mem>>)
    %dma_wait3A_216 = arith.constant 544 : i32
    %dma_wait3A_217 = tpu.memref_slice %arg5[%dma_wait3A_216] : memref<1024xi32, #tpu.memory_space<vmem>> -> memref<32xi32, #tpu.memory_space<vmem>>
    %dma_wait3A_218 = arith.constant 0 : i32
    %dma_wait3A_219 = arith.constant 0 : i32
    %dma_wait3A_220 = tpu.memref_slice %arg3[%dma_wait3A_218, %dma_wait3A_219] : memref<100000x768xf32, #tpu.memory_space<hbm>> -> memref<100000x768xf32, #tpu.memory_space<hbm>>
    tpu.wait_indirect_dma semaphore(%arg11 : memref<!tpu.dma_semaphore, #tpu.memory_space<semaphore_mem>>) src(%dma_wait3A_220 : memref<100000x768xf32, #tpu.memory_space<hbm>>) dst(%arg7 : memref<32x768xf32, #tpu.memory_space<vmem>>)
    %dma_start3A_221 = arith.constant 640 : i32
    %dma_start3A_222 = tpu.memref_slice %arg5[%dma_start3A_221] : memref<1024xi32, #tpu.memory_space<vmem>> -> memref<32xi32, #tpu.memory_space<vmem>>
    %dma_start3A_223 = arith.constant 0 : i32
    %dma_start3A_224 = arith.constant 0 : i32
    %dma_start3A_225 = tpu.memref_slice %arg3[%dma_start3A_223, %dma_start3A_224] : memref<100000x768xf32, #tpu.memory_space<hbm>> -> memref<100000x768xf32, #tpu.memory_space<hbm>>
    tpu.enqueue_indirect_dma source(%dma_start3A_225 : memref<100000x768xf32, #tpu.memory_space<hbm>>) target(%arg6 : memref<32x768xf32, #tpu.memory_space<vmem>>) offsets(%dma_start3A_222 : memref<32xi32, #tpu.memory_space<vmem>>) semaphore(%arg10 : memref<!tpu.dma_semaphore, #tpu.memory_space<semaphore_mem>>)
    %dma_wait3A_226 = arith.constant 576 : i32
    %dma_wait3A_227 = tpu.memref_slice %arg5[%dma_wait3A_226] : memref<1024xi32, #tpu.memory_space<vmem>> -> memref<32xi32, #tpu.memory_space<vmem>>
    %dma_wait3A_228 = arith.constant 0 : i32
    %dma_wait3A_229 = arith.constant 0 : i32
    %dma_wait3A_230 = tpu.memref_slice %arg3[%dma_wait3A_228, %dma_wait3A_229] : memref<100000x768xf32, #tpu.memory_space<hbm>> -> memref<100000x768xf32, #tpu.memory_space<hbm>>
    tpu.wait_indirect_dma semaphore(%arg12 : memref<!tpu.dma_semaphore, #tpu.memory_space<semaphore_mem>>) src(%dma_wait3A_230 : memref<100000x768xf32, #tpu.memory_space<hbm>>) dst(%arg8 : memref<32x768xf32, #tpu.memory_space<vmem>>)
    %dma_start3A_231 = arith.constant 672 : i32
    %dma_start3A_232 = tpu.memref_slice %arg5[%dma_start3A_231] : memref<1024xi32, #tpu.memory_space<vmem>> -> memref<32xi32, #tpu.memory_space<vmem>>
    %dma_start3A_233 = arith.constant 0 : i32
    %dma_start3A_234 = arith.constant 0 : i32
    %dma_start3A_235 = tpu.memref_slice %arg3[%dma_start3A_233, %dma_start3A_234] : memref<100000x768xf32, #tpu.memory_space<hbm>> -> memref<100000x768xf32, #tpu.memory_space<hbm>>
    tpu.enqueue_indirect_dma source(%dma_start3A_235 : memref<100000x768xf32, #tpu.memory_space<hbm>>) target(%arg7 : memref<32x768xf32, #tpu.memory_space<vmem>>) offsets(%dma_start3A_232 : memref<32xi32, #tpu.memory_space<vmem>>) semaphore(%arg11 : memref<!tpu.dma_semaphore, #tpu.memory_space<semaphore_mem>>)
    %dma_wait3A_236 = arith.constant 608 : i32
    %dma_wait3A_237 = tpu.memref_slice %arg5[%dma_wait3A_236] : memref<1024xi32, #tpu.memory_space<vmem>> -> memref<32xi32, #tpu.memory_space<vmem>>
    %dma_wait3A_238 = arith.constant 0 : i32
    %dma_wait3A_239 = arith.constant 0 : i32
    %dma_wait3A_240 = tpu.memref_slice %arg3[%dma_wait3A_238, %dma_wait3A_239] : memref<100000x768xf32, #tpu.memory_space<hbm>> -> memref<100000x768xf32, #tpu.memory_space<hbm>>
    tpu.wait_indirect_dma semaphore(%arg13 : memref<!tpu.dma_semaphore, #tpu.memory_space<semaphore_mem>>) src(%dma_wait3A_240 : memref<100000x768xf32, #tpu.memory_space<hbm>>) dst(%arg9 : memref<32x768xf32, #tpu.memory_space<vmem>>)
    %dma_start3A_241 = arith.constant 704 : i32
    %dma_start3A_242 = tpu.memref_slice %arg5[%dma_start3A_241] : memref<1024xi32, #tpu.memory_space<vmem>> -> memref<32xi32, #tpu.memory_space<vmem>>
    %dma_start3A_243 = arith.constant 0 : i32
    %dma_start3A_244 = arith.constant 0 : i32
    %dma_start3A_245 = tpu.memref_slice %arg3[%dma_start3A_243, %dma_start3A_244] : memref<100000x768xf32, #tpu.memory_space<hbm>> -> memref<100000x768xf32, #tpu.memory_space<hbm>>
    tpu.enqueue_indirect_dma source(%dma_start3A_245 : memref<100000x768xf32, #tpu.memory_space<hbm>>) target(%arg8 : memref<32x768xf32, #tpu.memory_space<vmem>>) offsets(%dma_start3A_242 : memref<32xi32, #tpu.memory_space<vmem>>) semaphore(%arg12 : memref<!tpu.dma_semaphore, #tpu.memory_space<semaphore_mem>>)
    %dma_wait3A_246 = arith.constant 640 : i32
    %dma_wait3A_247 = tpu.memref_slice %arg5[%dma_wait3A_246] : memref<1024xi32, #tpu.memory_space<vmem>> -> memref<32xi32, #tpu.memory_space<vmem>>
    %dma_wait3A_248 = arith.constant 0 : i32
    %dma_wait3A_249 = arith.constant 0 : i32
    %dma_wait3A_250 = tpu.memref_slice %arg3[%dma_wait3A_248, %dma_wait3A_249] : memref<100000x768xf32, #tpu.memory_space<hbm>> -> memref<100000x768xf32, #tpu.memory_space<hbm>>
    tpu.wait_indirect_dma semaphore(%arg10 : memref<!tpu.dma_semaphore, #tpu.memory_space<semaphore_mem>>) src(%dma_wait3A_250 : memref<100000x768xf32, #tpu.memory_space<hbm>>) dst(%arg6 : memref<32x768xf32, #tpu.memory_space<vmem>>)
    %dma_start3A_251 = arith.constant 736 : i32
    %dma_start3A_252 = tpu.memref_slice %arg5[%dma_start3A_251] : memref<1024xi32, #tpu.memory_space<vmem>> -> memref<32xi32, #tpu.memory_space<vmem>>
    %dma_start3A_253 = arith.constant 0 : i32
    %dma_start3A_254 = arith.constant 0 : i32
    %dma_start3A_255 = tpu.memref_slice %arg3[%dma_start3A_253, %dma_start3A_254] : memref<100000x768xf32, #tpu.memory_space<hbm>> -> memref<100000x768xf32, #tpu.memory_space<hbm>>
    tpu.enqueue_indirect_dma source(%dma_start3A_255 : memref<100000x768xf32, #tpu.memory_space<hbm>>) target(%arg9 : memref<32x768xf32, #tpu.memory_space<vmem>>) offsets(%dma_start3A_252 : memref<32xi32, #tpu.memory_space<vmem>>) semaphore(%arg13 : memref<!tpu.dma_semaphore, #tpu.memory_space<semaphore_mem>>)
    %dma_wait3A_256 = arith.constant 672 : i32
    %dma_wait3A_257 = tpu.memref_slice %arg5[%dma_wait3A_256] : memref<1024xi32, #tpu.memory_space<vmem>> -> memref<32xi32, #tpu.memory_space<vmem>>
    %dma_wait3A_258 = arith.constant 0 : i32
    %dma_wait3A_259 = arith.constant 0 : i32
    %dma_wait3A_260 = tpu.memref_slice %arg3[%dma_wait3A_258, %dma_wait3A_259] : memref<100000x768xf32, #tpu.memory_space<hbm>> -> memref<100000x768xf32, #tpu.memory_space<hbm>>
    tpu.wait_indirect_dma semaphore(%arg11 : memref<!tpu.dma_semaphore, #tpu.memory_space<semaphore_mem>>) src(%dma_wait3A_260 : memref<100000x768xf32, #tpu.memory_space<hbm>>) dst(%arg7 : memref<32x768xf32, #tpu.memory_space<vmem>>)
    %dma_start3A_261 = arith.constant 768 : i32
    %dma_start3A_262 = tpu.memref_slice %arg5[%dma_start3A_261] : memref<1024xi32, #tpu.memory_space<vmem>> -> memref<32xi32, #tpu.memory_space<vmem>>
    %dma_start3A_263 = arith.constant 0 : i32
    %dma_start3A_264 = arith.constant 0 : i32
    %dma_start3A_265 = tpu.memref_slice %arg3[%dma_start3A_263, %dma_start3A_264] : memref<100000x768xf32, #tpu.memory_space<hbm>> -> memref<100000x768xf32, #tpu.memory_space<hbm>>
    tpu.enqueue_indirect_dma source(%dma_start3A_265 : memref<100000x768xf32, #tpu.memory_space<hbm>>) target(%arg6 : memref<32x768xf32, #tpu.memory_space<vmem>>) offsets(%dma_start3A_262 : memref<32xi32, #tpu.memory_space<vmem>>) semaphore(%arg10 : memref<!tpu.dma_semaphore, #tpu.memory_space<semaphore_mem>>)
    %dma_wait3A_266 = arith.constant 704 : i32
    %dma_wait3A_267 = tpu.memref_slice %arg5[%dma_wait3A_266] : memref<1024xi32, #tpu.memory_space<vmem>> -> memref<32xi32, #tpu.memory_space<vmem>>
    %dma_wait3A_268 = arith.constant 0 : i32
    %dma_wait3A_269 = arith.constant 0 : i32
    %dma_wait3A_270 = tpu.memref_slice %arg3[%dma_wait3A_268, %dma_wait3A_269] : memref<100000x768xf32, #tpu.memory_space<hbm>> -> memref<100000x768xf32, #tpu.memory_space<hbm>>
    tpu.wait_indirect_dma semaphore(%arg12 : memref<!tpu.dma_semaphore, #tpu.memory_space<semaphore_mem>>) src(%dma_wait3A_270 : memref<100000x768xf32, #tpu.memory_space<hbm>>) dst(%arg8 : memref<32x768xf32, #tpu.memory_space<vmem>>)
    %dma_start3A_271 = arith.constant 800 : i32
    %dma_start3A_272 = tpu.memref_slice %arg5[%dma_start3A_271] : memref<1024xi32, #tpu.memory_space<vmem>> -> memref<32xi32, #tpu.memory_space<vmem>>
    %dma_start3A_273 = arith.constant 0 : i32
    %dma_start3A_274 = arith.constant 0 : i32
    %dma_start3A_275 = tpu.memref_slice %arg3[%dma_start3A_273, %dma_start3A_274] : memref<100000x768xf32, #tpu.memory_space<hbm>> -> memref<100000x768xf32, #tpu.memory_space<hbm>>
    tpu.enqueue_indirect_dma source(%dma_start3A_275 : memref<100000x768xf32, #tpu.memory_space<hbm>>) target(%arg7 : memref<32x768xf32, #tpu.memory_space<vmem>>) offsets(%dma_start3A_272 : memref<32xi32, #tpu.memory_space<vmem>>) semaphore(%arg11 : memref<!tpu.dma_semaphore, #tpu.memory_space<semaphore_mem>>)
    %dma_wait3A_276 = arith.constant 736 : i32
    %dma_wait3A_277 = tpu.memref_slice %arg5[%dma_wait3A_276] : memref<1024xi32, #tpu.memory_space<vmem>> -> memref<32xi32, #tpu.memory_space<vmem>>
    %dma_wait3A_278 = arith.constant 0 : i32
    %dma_wait3A_279 = arith.constant 0 : i32
    %dma_wait3A_280 = tpu.memref_slice %arg3[%dma_wait3A_278, %dma_wait3A_279] : memref<100000x768xf32, #tpu.memory_space<hbm>> -> memref<100000x768xf32, #tpu.memory_space<hbm>>
    tpu.wait_indirect_dma semaphore(%arg13 : memref<!tpu.dma_semaphore, #tpu.memory_space<semaphore_mem>>) src(%dma_wait3A_280 : memref<100000x768xf32, #tpu.memory_space<hbm>>) dst(%arg9 : memref<32x768xf32, #tpu.memory_space<vmem>>)
    %dma_start3A_281 = arith.constant 832 : i32
    %dma_start3A_282 = tpu.memref_slice %arg5[%dma_start3A_281] : memref<1024xi32, #tpu.memory_space<vmem>> -> memref<32xi32, #tpu.memory_space<vmem>>
    %dma_start3A_283 = arith.constant 0 : i32
    %dma_start3A_284 = arith.constant 0 : i32
    %dma_start3A_285 = tpu.memref_slice %arg3[%dma_start3A_283, %dma_start3A_284] : memref<100000x768xf32, #tpu.memory_space<hbm>> -> memref<100000x768xf32, #tpu.memory_space<hbm>>
    tpu.enqueue_indirect_dma source(%dma_start3A_285 : memref<100000x768xf32, #tpu.memory_space<hbm>>) target(%arg8 : memref<32x768xf32, #tpu.memory_space<vmem>>) offsets(%dma_start3A_282 : memref<32xi32, #tpu.memory_space<vmem>>) semaphore(%arg12 : memref<!tpu.dma_semaphore, #tpu.memory_space<semaphore_mem>>)
    %dma_wait3A_286 = arith.constant 768 : i32
    %dma_wait3A_287 = tpu.memref_slice %arg5[%dma_wait3A_286] : memref<1024xi32, #tpu.memory_space<vmem>> -> memref<32xi32, #tpu.memory_space<vmem>>
    %dma_wait3A_288 = arith.constant 0 : i32
    %dma_wait3A_289 = arith.constant 0 : i32
    %dma_wait3A_290 = tpu.memref_slice %arg3[%dma_wait3A_288, %dma_wait3A_289] : memref<100000x768xf32, #tpu.memory_space<hbm>> -> memref<100000x768xf32, #tpu.memory_space<hbm>>
    tpu.wait_indirect_dma semaphore(%arg10 : memref<!tpu.dma_semaphore, #tpu.memory_space<semaphore_mem>>) src(%dma_wait3A_290 : memref<100000x768xf32, #tpu.memory_space<hbm>>) dst(%arg6 : memref<32x768xf32, #tpu.memory_space<vmem>>)
    %dma_start3A_291 = arith.constant 864 : i32
    %dma_start3A_292 = tpu.memref_slice %arg5[%dma_start3A_291] : memref<1024xi32, #tpu.memory_space<vmem>> -> memref<32xi32, #tpu.memory_space<vmem>>
    %dma_start3A_293 = arith.constant 0 : i32
    %dma_start3A_294 = arith.constant 0 : i32
    %dma_start3A_295 = tpu.memref_slice %arg3[%dma_start3A_293, %dma_start3A_294] : memref<100000x768xf32, #tpu.memory_space<hbm>> -> memref<100000x768xf32, #tpu.memory_space<hbm>>
    tpu.enqueue_indirect_dma source(%dma_start3A_295 : memref<100000x768xf32, #tpu.memory_space<hbm>>) target(%arg9 : memref<32x768xf32, #tpu.memory_space<vmem>>) offsets(%dma_start3A_292 : memref<32xi32, #tpu.memory_space<vmem>>) semaphore(%arg13 : memref<!tpu.dma_semaphore, #tpu.memory_space<semaphore_mem>>)
    %dma_wait3A_296 = arith.constant 800 : i32
    %dma_wait3A_297 = tpu.memref_slice %arg5[%dma_wait3A_296] : memref<1024xi32, #tpu.memory_space<vmem>> -> memref<32xi32, #tpu.memory_space<vmem>>
    %dma_wait3A_298 = arith.constant 0 : i32
    %dma_wait3A_299 = arith.constant 0 : i32
    %dma_wait3A_300 = tpu.memref_slice %arg3[%dma_wait3A_298, %dma_wait3A_299] : memref<100000x768xf32, #tpu.memory_space<hbm>> -> memref<100000x768xf32, #tpu.memory_space<hbm>>
    tpu.wait_indirect_dma semaphore(%arg11 : memref<!tpu.dma_semaphore, #tpu.memory_space<semaphore_mem>>) src(%dma_wait3A_300 : memref<100000x768xf32, #tpu.memory_space<hbm>>) dst(%arg7 : memref<32x768xf32, #tpu.memory_space<vmem>>)
    %dma_start3A_301 = arith.constant 896 : i32
    %dma_start3A_302 = tpu.memref_slice %arg5[%dma_start3A_301] : memref<1024xi32, #tpu.memory_space<vmem>> -> memref<32xi32, #tpu.memory_space<vmem>>
    %dma_start3A_303 = arith.constant 0 : i32
    %dma_start3A_304 = arith.constant 0 : i32
    %dma_start3A_305 = tpu.memref_slice %arg3[%dma_start3A_303, %dma_start3A_304] : memref<100000x768xf32, #tpu.memory_space<hbm>> -> memref<100000x768xf32, #tpu.memory_space<hbm>>
    tpu.enqueue_indirect_dma source(%dma_start3A_305 : memref<100000x768xf32, #tpu.memory_space<hbm>>) target(%arg6 : memref<32x768xf32, #tpu.memory_space<vmem>>) offsets(%dma_start3A_302 : memref<32xi32, #tpu.memory_space<vmem>>) semaphore(%arg10 : memref<!tpu.dma_semaphore, #tpu.memory_space<semaphore_mem>>)
    %dma_wait3A_306 = arith.constant 832 : i32
    %dma_wait3A_307 = tpu.memref_slice %arg5[%dma_wait3A_306] : memref<1024xi32, #tpu.memory_space<vmem>> -> memref<32xi32, #tpu.memory_space<vmem>>
    %dma_wait3A_308 = arith.constant 0 : i32
    %dma_wait3A_309 = arith.constant 0 : i32
    %dma_wait3A_310 = tpu.memref_slice %arg3[%dma_wait3A_308, %dma_wait3A_309] : memref<100000x768xf32, #tpu.memory_space<hbm>> -> memref<100000x768xf32, #tpu.memory_space<hbm>>
    tpu.wait_indirect_dma semaphore(%arg12 : memref<!tpu.dma_semaphore, #tpu.memory_space<semaphore_mem>>) src(%dma_wait3A_310 : memref<100000x768xf32, #tpu.memory_space<hbm>>) dst(%arg8 : memref<32x768xf32, #tpu.memory_space<vmem>>)
    %dma_start3A_311 = arith.constant 928 : i32
    %dma_start3A_312 = tpu.memref_slice %arg5[%dma_start3A_311] : memref<1024xi32, #tpu.memory_space<vmem>> -> memref<32xi32, #tpu.memory_space<vmem>>
    %dma_start3A_313 = arith.constant 0 : i32
    %dma_start3A_314 = arith.constant 0 : i32
    %dma_start3A_315 = tpu.memref_slice %arg3[%dma_start3A_313, %dma_start3A_314] : memref<100000x768xf32, #tpu.memory_space<hbm>> -> memref<100000x768xf32, #tpu.memory_space<hbm>>
    tpu.enqueue_indirect_dma source(%dma_start3A_315 : memref<100000x768xf32, #tpu.memory_space<hbm>>) target(%arg7 : memref<32x768xf32, #tpu.memory_space<vmem>>) offsets(%dma_start3A_312 : memref<32xi32, #tpu.memory_space<vmem>>) semaphore(%arg11 : memref<!tpu.dma_semaphore, #tpu.memory_space<semaphore_mem>>)
    %dma_wait3A_316 = arith.constant 864 : i32
    %dma_wait3A_317 = tpu.memref_slice %arg5[%dma_wait3A_316] : memref<1024xi32, #tpu.memory_space<vmem>> -> memref<32xi32, #tpu.memory_space<vmem>>
    %dma_wait3A_318 = arith.constant 0 : i32
    %dma_wait3A_319 = arith.constant 0 : i32
    %dma_wait3A_320 = tpu.memref_slice %arg3[%dma_wait3A_318, %dma_wait3A_319] : memref<100000x768xf32, #tpu.memory_space<hbm>> -> memref<100000x768xf32, #tpu.memory_space<hbm>>
    tpu.wait_indirect_dma semaphore(%arg13 : memref<!tpu.dma_semaphore, #tpu.memory_space<semaphore_mem>>) src(%dma_wait3A_320 : memref<100000x768xf32, #tpu.memory_space<hbm>>) dst(%arg9 : memref<32x768xf32, #tpu.memory_space<vmem>>)
    %dma_start3A_321 = arith.constant 960 : i32
    %dma_start3A_322 = tpu.memref_slice %arg5[%dma_start3A_321] : memref<1024xi32, #tpu.memory_space<vmem>> -> memref<32xi32, #tpu.memory_space<vmem>>
    %dma_start3A_323 = arith.constant 0 : i32
    %dma_start3A_324 = arith.constant 0 : i32
    %dma_start3A_325 = tpu.memref_slice %arg3[%dma_start3A_323, %dma_start3A_324] : memref<100000x768xf32, #tpu.memory_space<hbm>> -> memref<100000x768xf32, #tpu.memory_space<hbm>>
    tpu.enqueue_indirect_dma source(%dma_start3A_325 : memref<100000x768xf32, #tpu.memory_space<hbm>>) target(%arg8 : memref<32x768xf32, #tpu.memory_space<vmem>>) offsets(%dma_start3A_322 : memref<32xi32, #tpu.memory_space<vmem>>) semaphore(%arg12 : memref<!tpu.dma_semaphore, #tpu.memory_space<semaphore_mem>>)
    %dma_wait3A_326 = arith.constant 896 : i32
    %dma_wait3A_327 = tpu.memref_slice %arg5[%dma_wait3A_326] : memref<1024xi32, #tpu.memory_space<vmem>> -> memref<32xi32, #tpu.memory_space<vmem>>
    %dma_wait3A_328 = arith.constant 0 : i32
    %dma_wait3A_329 = arith.constant 0 : i32
    %dma_wait3A_330 = tpu.memref_slice %arg3[%dma_wait3A_328, %dma_wait3A_329] : memref<100000x768xf32, #tpu.memory_space<hbm>> -> memref<100000x768xf32, #tpu.memory_space<hbm>>
    tpu.wait_indirect_dma semaphore(%arg10 : memref<!tpu.dma_semaphore, #tpu.memory_space<semaphore_mem>>) src(%dma_wait3A_330 : memref<100000x768xf32, #tpu.memory_space<hbm>>) dst(%arg6 : memref<32x768xf32, #tpu.memory_space<vmem>>)
    %dma_start3A_331 = arith.constant 992 : i32
    %dma_start3A_332 = tpu.memref_slice %arg5[%dma_start3A_331] : memref<1024xi32, #tpu.memory_space<vmem>> -> memref<32xi32, #tpu.memory_space<vmem>>
    %dma_start3A_333 = arith.constant 0 : i32
    %dma_start3A_334 = arith.constant 0 : i32
    %dma_start3A_335 = tpu.memref_slice %arg3[%dma_start3A_333, %dma_start3A_334] : memref<100000x768xf32, #tpu.memory_space<hbm>> -> memref<100000x768xf32, #tpu.memory_space<hbm>>
    tpu.enqueue_indirect_dma source(%dma_start3A_335 : memref<100000x768xf32, #tpu.memory_space<hbm>>) target(%arg9 : memref<32x768xf32, #tpu.memory_space<vmem>>) offsets(%dma_start3A_332 : memref<32xi32, #tpu.memory_space<vmem>>) semaphore(%arg13 : memref<!tpu.dma_semaphore, #tpu.memory_space<semaphore_mem>>)
    %dma_wait3A_336 = arith.constant 928 : i32
    %dma_wait3A_337 = tpu.memref_slice %arg5[%dma_wait3A_336] : memref<1024xi32, #tpu.memory_space<vmem>> -> memref<32xi32, #tpu.memory_space<vmem>>
    %dma_wait3A_338 = arith.constant 0 : i32
    %dma_wait3A_339 = arith.constant 0 : i32
    %dma_wait3A_340 = tpu.memref_slice %arg3[%dma_wait3A_338, %dma_wait3A_339] : memref<100000x768xf32, #tpu.memory_space<hbm>> -> memref<100000x768xf32, #tpu.memory_space<hbm>>
    tpu.wait_indirect_dma semaphore(%arg11 : memref<!tpu.dma_semaphore, #tpu.memory_space<semaphore_mem>>) src(%dma_wait3A_340 : memref<100000x768xf32, #tpu.memory_space<hbm>>) dst(%arg7 : memref<32x768xf32, #tpu.memory_space<vmem>>)
    %dma_wait3A_341 = arith.constant 960 : i32
    %dma_wait3A_342 = tpu.memref_slice %arg5[%dma_wait3A_341] : memref<1024xi32, #tpu.memory_space<vmem>> -> memref<32xi32, #tpu.memory_space<vmem>>
    %dma_wait3A_343 = arith.constant 0 : i32
    %dma_wait3A_344 = arith.constant 0 : i32
    %dma_wait3A_345 = tpu.memref_slice %arg3[%dma_wait3A_343, %dma_wait3A_344] : memref<100000x768xf32, #tpu.memory_space<hbm>> -> memref<100000x768xf32, #tpu.memory_space<hbm>>
    tpu.wait_indirect_dma semaphore(%arg12 : memref<!tpu.dma_semaphore, #tpu.memory_space<semaphore_mem>>) src(%dma_wait3A_345 : memref<100000x768xf32, #tpu.memory_space<hbm>>) dst(%arg8 : memref<32x768xf32, #tpu.memory_space<vmem>>)
    %dma_wait3A_346 = arith.constant 992 : i32
    %dma_wait3A_347 = tpu.memref_slice %arg5[%dma_wait3A_346] : memref<1024xi32, #tpu.memory_space<vmem>> -> memref<32xi32, #tpu.memory_space<vmem>>
    %dma_wait3A_348 = arith.constant 0 : i32
    %dma_wait3A_349 = arith.constant 0 : i32
    %dma_wait3A_350 = tpu.memref_slice %arg3[%dma_wait3A_348, %dma_wait3A_349] : memref<100000x768xf32, #tpu.memory_space<hbm>> -> memref<100000x768xf32, #tpu.memory_space<hbm>>
    tpu.wait_indirect_dma semaphore(%arg13 : memref<!tpu.dma_semaphore, #tpu.memory_space<semaphore_mem>>) src(%dma_wait3A_350 : memref<100000x768xf32, #tpu.memory_space<hbm>>) dst(%arg9 : memref<32x768xf32, #tpu.memory_space<vmem>>)
    return
  }
}

</mosaic_0001>

<sc_bundles>
// kernel: _embed.3.cloned.1.call-start
scs
__scs_entry_jumppad:
0x0: {  	(pc) =	sbr.rel $0x88, $3  }
0x1: {  	(tag) =	ssettag $0x0;
	lr =	simm.s32 $0x1  }
0x2: {  	[smem:$0x3F9F] =	sst lr;
	_ =	strace $0xD0000000  }
0x3: {  	_ = 	snop  }
0x4: {  	_ = 	snop  }
0x5: {  	_ = 	snop  }
0x6: {  	_ = 	snop  }
0x7: {  	_ = 	snop  }
__scs_overlays_trampoline_lowered:
0x8: {  	[smem:$0x3FAE] =	sst s0  }
0x9: {  	[smem:$0x3FAF] =	sst s1  }
0xa: {  	[smem:$0x3FB0] =	sst s2  }
0xb: {  	[smem:$0x3FB1] =	sst s3  }
0xc: {  	[smem:$0x3FB2] =	sst s4  }
0xd: {  	[smem:$0x3FB3] =	sst s5  }
0xe: {  	[smem:$0x3FB4] =	sst s6  }
0xf: {  	[smem:$0x3FB5] =	sst s7  }
0x10: {  	[smem:$0x3FB6] =	sst s8  }
0x11: {  	[smem:$0x3FB7] =	sst s9;
	s0 =	simm.s32 @!p0 $0x0  }
0x12: {  	s1 =	sld [smem:$0x3F9D];
	s0 =	simm.s32 @p0 $0x1  }
0x13: {  	[smem:$0x3FB8] =	sst s0;
	s0 =	simm.s32 @!p1 $0x0  }
0x14: {  	s2 =	sld [smem:$0x3F9C];
	s0 =	simm.s32 @p1 $0x1  }
0x15: {  	[smem:$0x3FB9] =	sst s0;
	s0 =	simm.s32 @!p2 $0x0  }
0x16: {  	s3 =	sld [smem:$0x3FDB];
	s0 =	simm.s32 @p2 $0x1  }
0x17: {  	s4 =	simm.s32 $0x1BF5;
	[smem:$0x3FBB] =	sst s0  }
0x18: {  	s0 =	sld [smem:$0x3F9E];
	_ =	swait.ge [sflag:s4], $0x0  }
0x19: {  	s7 =	sld [smem:$0x3F9F]  }
0x1a: {  	s8 =	sadd.s32 $0xFFFFE003, lr  }
0x1b: {  	s9 =	sadd.s32 $0xFFFFFEF7, lr;
	s5 =	simm.s32 $0xFFFFFFFF;
	p2 =	slt.u32 s8, $0xFFFFF086  }
0x1c: {  	p1 =	slt.u32 s9, $0xF7A;
	s5 =	simm.s32 @!p2 $0x0  }
0x1d: {  	s5 =	simm.s32 @p1 $0x1;
	p0 =	seq.s32 s7, s2  }
0x1e: {  	s7 =	smul.u32 @!p0 $0xF7A, s2;
	p2 =	seq.s32 @!p0 s5, $0x0  }
0x1f: {  	s9 =	smul.u32 $0xF7A, s1;
	s8 =	simm.s32 @!p0 $0x1BF5;
	p2 =	por !p2, p0  }
0x20: {  	[sflag:s8] =	ssyncset.s32 @!p0 $0xFFFFF086;
	s6 =	sadd.s32 @!p0 s3, s7;
	s7 =	simm.s32 @!p0 $0x108  }
0x21: {  	s3 =	sadd.s32 s3, s9;
	s6 =	sadd.s32 @!p0 $0x88, s6;
	s7 =	simm.s32 @p2 $0x1082  }
0x22: {  	[simem:s7], [sflag:s8] =	dma.local @!p0 [hbm:s6], $0xF7A  }
0x23: {  	s9 =	sor.u32 $0xD0000000, s2;
	s6 =	simm.s32 $0x108;
	_ =	swait.ge @!p0 [sflag:s8], $0x0  }
0x24: {  	s3 =	sadd.s32 $0x88, s3;
	s6 =	simm.s32 @!p1 $0x1082;
	[sflag:s4] =	ssyncset.s32 $0xFFFFF086  }
0x25: {  	[simem:s6], [sflag:s4] =	dma.local [hbm:s3], $0xF7A  }
0x26: {  	[smem:$0x3F9F] =	sst s1;
	(tag) =	ssettag s2;
	_ =	strace s9  }
0x27: {  	s1 =	sld [smem:$0x3FAF]  }
0x28: {  	s2 =	sld [smem:$0x3FB0]  }
0x29: {  	s4 =	sld [smem:$0x3FB2]  }
0x2a: {  	p0 =	seq.s32 s5, $0x0;
	s5 =	sld [smem:$0x3FB3]  }
0x2b: {  	s6 =	sld [smem:$0x3FB4]  }
0x2c: {  	s7 =	sld [smem:$0x3FB5]  }
0x2d: {  	s3 =	simm.s32 $0x108;
	s8 =	sld [smem:$0x3FB6]  }
0x2e: {  	s3 =	simm.s32 @!p0 $0x1082;
	s9 =	sld [smem:$0x3FB7]  }
0x2f: {  	lr =	sadd.s32 s0, s3;
	s0 =	sld [smem:$0x3FAE]  }
0x30: {  	s3 =	sld [smem:$0x3FB1]  }
0x31: {  	[smem:$0x3FBA] =	sst s10  }
0x32: {  	s10 =	sld [smem:$0x3FB8];
	_ =	sdelay $0x3  }
0x33: {  	p0 =	seq.s32 s10, $0x1;
	s10 =	sld [smem:$0x3FBA];
	_ =	sdelay $0x3  }
0x34: {  	[smem:$0x3FBA] =	sst s10  }
0x35: {  	s10 =	sld [smem:$0x3FB9];
	_ =	sdelay $0x3  }
0x36: {  	p1 =	seq.s32 s10, $0x1;
	s10 =	sld [smem:$0x3FBA];
	_ =	sdelay $0x3  }
0x37: {  	[smem:$0x3FBA] =	sst s10  }
0x38: {  	s10 =	sld [smem:$0x3FBB]  }
0x39: {  	_ = 	snop;
	(pc) =	sbr.ind lr, $3  }
0x3a: {  	_ = 	snop  }
0x3b: {  	_ = 	snop  }
0x3c: {  	p2 =	seq.s32 s10, $0x1;
	s10 =	sld [smem:$0x3FBA]  }
0x3d: {  	_ =	shalt  }
0x3e: {  	_ =	shalt  }
0x3f: {  	_ =	shalt  }
0x40: {  	_ =	shalt  }
0x41: {  	_ =	shalt  }
0x42: {  	_ =	shalt  }
0x43: {  	_ =	shalt  }
0x44: {  	_ =	shalt  }
0x45: {  	_ =	shalt  }
0x46: {  	_ =	shalt  }
0x47: {  	_ =	shalt  }
0x48: {  	_ =	shalt  }
0x49: {  	_ =	shalt  }
0x4a: {  	_ =	shalt  }
0x4b: {  	_ =	shalt  }
0x4c: {  	_ =	shalt  }
0x4d: {  	_ =	shalt  }
0x4e: {  	_ =	shalt  }
0x4f: {  	_ =	shalt  }
0x50: {  	_ =	shalt  }
0x51: {  	_ =	shalt  }
0x52: {  	_ =	shalt  }
0x53: {  	_ =	shalt  }
0x54: {  	_ =	shalt  }
0x55: {  	_ =	shalt  }
0x56: {  	_ =	shalt  }
0x57: {  	_ =	shalt  }
0x58: {  	_ =	shalt  }
0x59: {  	_ =	shalt  }
0x5a: {  	_ =	shalt  }
0x5b: {  	_ =	shalt  }
0x5c: {  	_ =	shalt  }
0x5d: {  	_ =	shalt  }
0x5e: {  	_ =	shalt  }
0x5f: {  	_ =	shalt  }
0x60: {  	_ =	shalt  }
0x61: {  	_ =	shalt  }
0x62: {  	_ =	shalt  }
0x63: {  	_ =	shalt  }
0x64: {  	_ =	shalt  }
0x65: {  	_ =	shalt  }
0x66: {  	_ =	shalt  }
0x67: {  	_ =	shalt  }
0x68: {  	_ =	shalt  }
0x69: {  	_ =	shalt  }
0x6a: {  	_ =	shalt  }
0x6b: {  	_ =	shalt  }
0x6c: {  	_ =	shalt  }
0x6d: {  	_ =	shalt  }
0x6e: {  	_ =	shalt  }
0x6f: {  	_ =	shalt  }
0x70: {  	_ =	shalt  }
0x71: {  	_ =	shalt  }
0x72: {  	_ =	shalt  }
0x73: {  	_ =	shalt  }
0x74: {  	_ =	shalt  }
0x75: {  	_ =	shalt  }
0x76: {  	_ =	shalt  }
0x77: {  	_ =	shalt  }
0x78: {  	_ =	shalt  }
0x79: {  	_ =	shalt  }
0x7a: {  	_ =	shalt  }
0x7b: {  	_ =	shalt  }
0x7c: {  	_ =	shalt  }
0x7d: {  	_ =	shalt  }
0x7e: {  	_ =	shalt  }
0x7f: {  	_ =	shalt  }
0x80: {  	_ =	shalt  }
0x81: {  	_ =	shalt  }
0x82: {  	_ =	shalt  }
0x83: {  	_ =	shalt  }
0x84: {  	_ =	shalt  }
0x85: {  	_ =	shalt  }
0x86: {  	_ =	shalt  }
0x87: {  	_ =	shalt  }
.Lfunc_end0:
.L_simem_size_0:
called_computation_lowered:
.L_overlay_start_0:
0x88: {  	s2 =	sld [smem:$0x3FD9]  }
0x89: {  	s3 =	sld [smem:$0x3FFE];
	_ =	sdelay $0x1  }
0x8a: {  	s1 =	srdreg.scid  }
0x8b: {  	s0 =	sand.u32 $0x1, s1  }
0x8c: {  	s18 =	sshll.u32 s0, $0xA;
	s2 =	sadd.s32 s3, s2  }
0x8d: {  	s2 =	sadd.s32 s2, s18  }
0x8e: {  	[smem:$0x3FC6] =	sst s2  }
0x8f: {  	_ = 	snop  }
0x90: {  	s2 =	sld [smem:$0x3FC9]  }
0x91: {  	s19 =	sld [smem:$0x3FC8];
	(tm) =	ssettm $0x1  }
0x92: {  	s4 =	sld [smem:$0x3FFB];
	_ =	sdelay $0x3  }
0x93: {  	_ =	strace s4  }
0x94: {  	s4 =	sld [smem:$0x3FFC];
	_ =	sdelay $0x3  }
0x95: {  	_ =	strace s4  }
0x96: {  	s4 =	sld [smem:$0x3FFD];
	_ =	sdelay $0x3  }
0x97: {  	_ =	strace s4  }
0x98: {  	_ =	strace $0x8FFFFFFF  }
0x99: {  	s20 =	sld [smem:$0x3FDB];
	_ =	sdelay $0x1  }
0x9a: {  	s5 =	simm.s32 $_scs_section_size  }
0x9b: {  	s6 =	simm.s32 $_size__tile_overlayer_lowered;
	s7 =	simm.s32 $_tile_overlayer_lowered  }
0x9c: {  	s23 =	simm.s32 $0x1BFF;
	s22 =	sshll.u32 s7, $0x1;
	s4 =	sadd.s32 s5, s20  }
0x9d: {  	s8 =	simm.s32 $0x0;
	s21 =	sshll.u32 s6, $0x1;
	s6 =	sadd.s32 s22, s4  }
0x9e: {  	[timem:s8], [sflag:s23] =	dma.local [hbm:s6], s21  }
0x9f: {  	_ =	swait.ge [sflag:s23], s21  }
0xa0: {  	s5 =	ssub.s32 $0x0, s21;
	[sflag:s23] =	ssyncset.done $0x0  }
0xa1: {  	[sflag:s23] =	ssyncadd.s32 s5;
	_ =	sdelay $0x1  }
0xa2: {  	s24 =	simm.s32 $0x1B8B  }
0xa3: {  	_ =	swait.ge [sflag:s24], $0x1  }
0xa4: {  	[sflag:s24] =	ssyncset.done $0x0  }
0xa5: {  	s25 =	simm.s32 $0x1B8E;
	[sflag:s24] =	ssyncadd.s32 $0xFFFFFFFF  }
0xa6: {  	s26 =	simm.s32 $execute0_lowered;
	[smem:$0x3FD2] =	sst s25  }
0xa7: {  	s5 =	sshll.u32 s26, $0x1;
	_ =	strace $0x80000046;
	[dreg:$0x1] =	wrdreg $0xFFFFFFFF  }
0xa8: {  	s28 =	simm.s32 $_size_execute0_lowered;
	s4 =	sadd.s32 s4, s5;
	[dreg:$0x0] =	wrdreg $0x0  }
0xa9: {  	s5 =	sshll.u32 s28, $0x1;
	[dreg:$0x2] =	wrdreg s4  }
0xaa: {  	[dreg:$0x3] =	wrdreg s5  }
0xab: {  	[dreg:$0x4] =	wrdreg $0xC0  }
0xac: {  	_ =	task [dreg:s8], $0x5FFFF  }
0xad: {  	[dreg:$0x1] =	wrdreg $0xFFFFFFFF  }
0xae: {  	[dreg:$0x0] =	wrdreg $0x60  }
0xaf: {  	[dreg:$0x2] =	wrdreg s2  }
0xb0: {  	[dreg:$0x3] =	wrdreg s19  }
0xb1: {  	[dreg:$0x4] =	wrdreg $0x9  }
0xb2: {  	_ =	task.clear_ibuf [dreg:s8], $0x5FFFF;
	_ =	strace $0x90000046  }
0xb3: {  	s29 =	simm.s32 $0x9;
	_ =	strace $0x80000048  }
0xb4: {  	_ =	swait.ge [sflag:s29], $0x1  }
0xb5: {  	[sflag:s29] =	ssyncadd.s32 $0xFFFFFFFF  }
0xb6: {  	_ =	strace $0x90000048  }
0xb7: {  	_ =	sfence  }
0xb8: {  	s30 =	sld [smem:$0x0];
	_ =	sdelay $0x2  }
0xb9: {  	s31 =	sshll.u32 s1, $0xD;
	s1 =	sshrl.u32 s1, $0x2  }
0xba: {  	s3 =	sand.u32 $0x4000, s31;
	s1 =	sadd.s32 s1, s30  }
0xbb: {  	s0 =	sor.u32 s3, s0;
	s1 =	sshll.u32 s1, $0x11  }
0xbc: {  	s0 =	sor.u32 s1, s0  }
0xbd: {  	s0 =	sadd.s32 $0x8F2B, s0  }
0xbe: {  	[sflag:s0] =	ssyncadd.remote.s32 $0x1  }
0xbf: {  	_ =	sfence.sel $0xFFFF  }
0xc0: {  	[dreg:$0x0] =	wrdreg $0xFFFFFFFF;
	(pc) =	sbr.abs _section_cstart, $3  }
0xc1: {  	[dreg:$0x1] =	wrdreg $0xFFFFFFFF  }
0xc2: {  	_ =	task.clear_ibuf [dreg:s8], $0x2FFFF;
	_ =	strace $0x9FFFFFFF  }
0xc3: {  	(tm) =	ssettm $0x7FFFFFFF  }
tec
execute0_lowered:
.L_overlay_start_1:
0x0: {  	(tag) =	ssettag $0x1  }
0x1: {  	s0 =	rddreg [dreg:$0x0]  }
0x2: {  	s2 =	rddreg [dreg:$0x1];
	s5 =	stileid.u32;
	s3 =	simm.s32 $0x0  }
0x3: {  	s1 =	srdreg.scid;
	s30 =	simm.s32 $0x80;
	s31 =	simm.s32 $0x200  }
0x4: {  	s18 =	simm.s32 $0x1;
	s7 =	simm.s32 $0x4;
	s4 =	sshll.u32 s5, $0x1  }
0x5: {  	s1 =	sand.u32 $0x1, s1;
	s5 =	sshll.u32 s5, $0x2;
	[smem:$0x7FF] =	sst s3  }
0x6: {  	s4 =	sand.u32 $0x6, s4;
	_ =	strace $0x80000047;
	[dreg:$0x4] =	wrdreg s30  }
0x7: {  	s5 =	sand.u32 $0x30, s5;
	[dreg:$0x5] =	wrdreg s31;
	s4 =	sor.u32 s1, s4  }
0x8: {  	s1 =	ssub.s32 $0x2, s1;
	s0 =	sadd.s32 s0, s5;
	s4 =	sshll.u32 s4, $0x9  }
0x9: {  	v2 =	vlaneseq.u32;
	s5 =	sadd.s32 $0x200, s2;
	s29 =	sshrl.u32 s1, $0x1;
	s0 =	sadd.s32 s4, s0  }
0xa: {  	vm0 =	vmmov $0xffff;
	v1 =	vshrl.u32 v2, $0x3;
	s1 =	ssub.s32 s1, s29;
	s4 =	sadd.s32 $0x100, s2;
	[dreg:$0x3] =	wrdreg s0  }
0xb: {  	v0 =	vand.u32 $0x7, v2;
	v2 =	vor.u32 $0x8, v2;
	v1 =	vmul.u32 $0x8, v1;
	s6 =	smax.u32 s1, $0x1;
	s0 =	simm.s32 $0x2;
	s1 =	simm.s32 $0x3  }
.LBB2_1:
0xc: {  	[dreg:$0x6] =	wrdreg s6  }
0xd: {  	s8 =	rddreg [dreg:$0x3]  }
0xe: {  	s9 =	rddreg [dreg:$0x4]  }
0xf: {  	s10 =	rddreg [dreg:$0x5];
	s29 =	simm.s32 $0x5  }
0x10: {  	[tilespmem:s3], [sflag:$0x5] =	stream.strided.gather [hbm4b:s8+s9], $0x400, s10, s9, $0x38;
	[tilespmem:$0x18400] =	vst v63  }
0x11: {  	_ =	swait.ge [sflag:s29], $0x400  }
0x12: {  	[sflag:s29] =	ssyncset.done $0x0  }
0x13: {  	[sflag:s29] =	ssyncadd.s32 $0xFFFFFC00  }
0x14: {  	v3 =	vld [tilespmem:$0x0];
	_ =	sdelay $0x4  }
0x15: {  	v4 =	vshrl.u32 v3, $0x3  }
0x16: {  	v4 =	vmul.u32 $0x30, v4  }
0x17: {  	v3 =	vand.u32 $0x7, v3  }
0x18: {  	v3 =	vor.u32 v3, v4  }
0x19: {  	v4 =	vperm.xlane v3, v0;
	_ =	sdelay $0x1  }
0x1a: {  	v4 =	vadd.s32 v1, v4;
	_ =	sdelay $0x3  }
0x1b: {  	s30 =	simm.s32 $0x400;
	v3 =	vperm.xlane v3, v2  }
0x1c: {  	[tilespmem:s30], [sflag:$0x1] =	stream.indirect_vreg.gather [hbm4b:s2+s3], $0x80, v4, vm0, $0xb8;
	[tilespmem:$0x18400] =	vst v63  }
0x1d: {  	s31 =	simm.s32 $0xC00;
	v3 =	vadd.s32 v1, v3  }
0x1e: {  	[tilespmem:s31], [sflag:$0x1] =	stream.indirect_vreg.gather [hbm4b:s4+s3], $0x80, v4, vm0, $0xb8;
	[tilespmem:$0x18400] =	vst v63  }
0x1f: {  	s8 =	simm.s32 $0x1400  }
0x20: {  	[tilespmem:s8], [sflag:$0x1] =	stream.indirect_vreg.gather [hbm4b:s5+s3], $0x80, v4, vm0, $0xb8;
	[tilespmem:$0x18400] =	vst v63  }
0x21: {  	s9 =	simm.s32 $0x1C00  }
0x22: {  	[tilespmem:s9], [sflag:$0x1] =	stream.indirect_vreg.gather [hbm4b:s2+s3], $0x80, v3, vm0, $0xb8;
	[tilespmem:$0x18400] =	vst v63  }
0x23: {  	s10 =	simm.s32 $0x2400  }
0x24: {  	[tilespmem:s10], [sflag:$0x1] =	stream.indirect_vreg.gather [hbm4b:s4+s3], $0x80, v3, vm0, $0xb8;
	[tilespmem:$0x18400] =	vst v63  }
0x25: {  	s11 =	simm.s32 $0x2C00  }
0x26: {  	[tilespmem:s11], [sflag:$0x1] =	stream.indirect_vreg.gather [hbm4b:s5+s3], $0x80, v3, vm0, $0xb8;
	[tilespmem:$0x18400] =	vst v63  }
0x27: {  	v3 =	vld [tilespmem:$0x10];
	_ =	sdelay $0x4  }
0x28: {  	v57 =	vshrl.u32 v3, $0x3  }
0x29: {  	v4 =	vmul.u32 $0x30, v57  }
0x2a: {  	v3 =	vand.u32 $0x7, v3  }
0x2b: {  	v3 =	vor.u32 v3, v4  }
0x2c: {  	v4 =	vperm.xlane v3, v0;
	_ =	sdelay $0x1  }
0x2d: {  	v4 =	vadd.s32 v1, v4;
	_ =	sdelay $0x3  }
0x2e: {  	s12 =	simm.s32 $0x3400;
	v3 =	vperm.xlane v3, v2  }
0x2f: {  	[tilespmem:s12], [sflag:$0x1] =	stream.indirect_vreg.gather [hbm4b:s2+s3], $0x80, v4, vm0, $0xb8;
	[tilespmem:$0x18400] =	vst v63  }
0x30: {  	s13 =	simm.s32 $0x3C00;
	v3 =	vadd.s32 v1, v3  }
0x31: {  	[tilespmem:s13], [sflag:$0x1] =	stream.indirect_vreg.gather [hbm4b:s4+s3], $0x80, v4, vm0, $0xb8;
	[tilespmem:$0x18400] =	vst v63  }
0x32: {  	s14 =	simm.s32 $0x4400  }
0x33: {  	[tilespmem:s14], [sflag:$0x1] =	stream.indirect_vreg.gather [hbm4b:s5+s3], $0x80, v4, vm0, $0xb8;
	[tilespmem:$0x18400] =	vst v63  }
0x34: {  	s15 =	simm.s32 $0x4C00  }
0x35: {  	[tilespmem:s15], [sflag:$0x1] =	stream.indirect_vreg.gather [hbm4b:s2+s3], $0x80, v3, vm0, $0xb8;
	[tilespmem:$0x18400] =	vst v63  }
0x36: {  	s16 =	simm.s32 $0x5400  }
0x37: {  	[tilespmem:s16], [sflag:$0x1] =	stream.indirect_vreg.gather [hbm4b:s4+s3], $0x80, v3, vm0, $0xb8;
	[tilespmem:$0x18400] =	vst v63  }
0x38: {  	s17 =	simm.s32 $0x5C00  }
0x39: {  	[tilespmem:s17], [sflag:$0x1] =	stream.indirect_vreg.gather [hbm4b:s5+s3], $0x80, v3, vm0, $0xb8;
	[tilespmem:$0x18400] =	vst v63  }
0x3a: {  	v3 =	vld [tilespmem:$0x20];
	_ =	sdelay $0x4  }
0x3b: {  	v58 =	vshrl.u32 v3, $0x3  }
0x3c: {  	v4 =	vmul.u32 $0x30, v58  }
0x3d: {  	v3 =	vand.u32 $0x7, v3  }
0x3e: {  	v3 =	vor.u32 v3, v4  }
0x3f: {  	v4 =	vperm.xlane v3, v0;
	_ =	sdelay $0x1  }
0x40: {  	v4 =	vadd.s32 v1, v4;
	_ =	sdelay $0x3  }
0x41: {  	s19 =	simm.s32 $0x6400;
	v3 =	vperm.xlane v3, v2  }
0x42: {  	[tilespmem:s19], [sflag:$0x2] =	stream.indirect_vreg.gather [hbm4b:s2+s3], $0x80, v4, vm0, $0xb8;
	[tilespmem:$0x18400] =	vst v63  }
0x43: {  	s20 =	simm.s32 $0x6C00;
	v3 =	vadd.s32 v1, v3  }
0x44: {  	[tilespmem:s20], [sflag:$0x2] =	stream.indirect_vreg.gather [hbm4b:s4+s3], $0x80, v4, vm0, $0xb8;
	[tilespmem:$0x18400] =	vst v63  }
0x45: {  	s21 =	simm.s32 $0x7400  }
0x46: {  	[tilespmem:s21], [sflag:$0x2] =	stream.indirect_vreg.gather [hbm4b:s5+s3], $0x80, v4, vm0, $0xb8;
	[tilespmem:$0x18400] =	vst v63  }
0x47: {  	s22 =	simm.s32 $0x7C00  }
0x48: {  	[tilespmem:s22], [sflag:$0x2] =	stream.indirect_vreg.gather [hbm4b:s2+s3], $0x80, v3, vm0, $0xb8;
	[tilespmem:$0x18400] =	vst v63  }
0x49: {  	s23 =	simm.s32 $0x8400  }
0x4a: {  	[tilespmem:s23], [sflag:$0x2] =	stream.indirect_vreg.gather [hbm4b:s4+s3], $0x80, v3, vm0, $0xb8;
	[tilespmem:$0x18400] =	vst v63  }
0x4b: {  	s8 =	simm.s32 $0x8C00  }
0x4c: {  	[tilespmem:s8], [sflag:$0x2] =	stream.indirect_vreg.gather [hbm4b:s5+s3], $0x80, v3, vm0, $0xb8;
	[tilespmem:$0x18400] =	vst v63  }
0x4d: {  	v3 =	vld [tilespmem:$0x30];
	_ =	sdelay $0x4  }
0x4e: {  	v59 =	vshrl.u32 v3, $0x3  }
0x4f: {  	v4 =	vmul.u32 $0x30, v59  }
0x50: {  	v3 =	vand.u32 $0x7, v3  }
0x51: {  	v3 =	vor.u32 v3, v4  }
0x52: {  	v4 =	vperm.xlane v3, v0;
	_ =	sdelay $0x1  }
0x53: {  	v4 =	vadd.s32 v1, v4;
	_ =	sdelay $0x3  }
0x54: {  	s11 =	simm.s32 $0x9400;
	v3 =	vperm.xlane v3, v2  }
0x55: {  	[tilespmem:s11], [sflag:$0x2] =	stream.indirect_vreg.gather [hbm4b:s2+s3], $0x80, v4, vm0, $0xb8;
	[tilespmem:$0x18400] =	vst v63  }
0x56: {  	s12 =	simm.s32 $0x9C00;
	v3 =	vadd.s32 v1, v3  }
0x57: {  	[tilespmem:s12], [sflag:$0x2] =	stream.indirect_vreg.gather [hbm4b:s4+s3], $0x80, v4, vm0, $0xb8;
	[tilespmem:$0x18400] =	vst v63  }
0x58: {  	s15 =	simm.s32 $0xA400  }
0x59: {  	[tilespmem:s15], [sflag:$0x2] =	stream.indirect_vreg.gather [hbm4b:s5+s3], $0x80, v4, vm0, $0xb8;
	[tilespmem:$0x18400] =	vst v63  }
0x5a: {  	s16 =	simm.s32 $0xAC00  }
0x5b: {  	[tilespmem:s16], [sflag:$0x2] =	stream.indirect_vreg.gather [hbm4b:s2+s3], $0x80, v3, vm0, $0xb8;
	[tilespmem:$0x18400] =	vst v63  }
0x5c: {  	s20 =	simm.s32 $0xB400  }
0x5d: {  	[tilespmem:s20], [sflag:$0x2] =	stream.indirect_vreg.gather [hbm4b:s4+s3], $0x80, v3, vm0, $0xb8;
	[tilespmem:$0x18400] =	vst v63  }
0x5e: {  	s21 =	simm.s32 $0xBC00  }
0x5f: {  	[tilespmem:s21], [sflag:$0x2] =	stream.indirect_vreg.gather [hbm4b:s5+s3], $0x80, v3, vm0, $0xb8;
	[tilespmem:$0x18400] =	vst v63  }
0x60: {  	v3 =	vld [tilespmem:$0x40];
	_ =	sdelay $0x4  }
0x61: {  	v60 =	vshrl.u32 v3, $0x3  }
0x62: {  	v4 =	vmul.u32 $0x30, v60  }
0x63: {  	v3 =	vand.u32 $0x7, v3  }
0x64: {  	v3 =	vor.u32 v3, v4  }
0x65: {  	v4 =	vperm.xlane v3, v0;
	_ =	sdelay $0x1  }
0x66: {  	v4 =	vadd.s32 v1, v4;
	_ =	sdelay $0x3  }
0x67: {  	s21 =	simm.s32 $0xC400;
	v3 =	vperm.xlane v3, v2  }
0x68: {  	[tilespmem:s21], [sflag:$0x3] =	stream.indirect_vreg.gather [hbm4b:s2+s3], $0x80, v4, vm0, $0xb8;
	[tilespmem:$0x18400] =	vst v63  }
0x69: {  	s22 =	simm.s32 $0xCC00;
	v3 =	vadd.s32 v1, v3  }
0x6a: {  	[tilespmem:s22], [sflag:$0x3] =	stream.indirect_vreg.gather [hbm4b:s4+s3], $0x80, v4, vm0, $0xb8;
	[tilespmem:$0x18400] =	vst v63  }
0x6b: {  	s6 =	simm.s32 $0xD400  }
0x6c: {  	[tilespmem:s6], [sflag:$0x3] =	stream.indirect_vreg.gather [hbm4b:s5+s3], $0x80, v4, vm0, $0xb8;
	[tilespmem:$0x18400] =	vst v63  }
0x6d: {  	s11 =	simm.s32 $0xDC00  }
0x6e: {  	[tilespmem:s11], [sflag:$0x3] =	stream.indirect_vreg.gather [hbm4b:s2+s3], $0x80, v3, vm0, $0xb8;
	[tilespmem:$0x18400] =	vst v63  }
0x6f: {  	s12 =	simm.s32 $0xE400  }
0x70: {  	[tilespmem:s12], [sflag:$0x3] =	stream.indirect_vreg.gather [hbm4b:s4+s3], $0x80, v3, vm0, $0xb8;
	[tilespmem:$0x18400] =	vst v63  }
0x71: {  	s15 =	simm.s32 $0xEC00  }
0x72: {  	[tilespmem:s15], [sflag:$0x3] =	stream.indirect_vreg.gather [hbm4b:s5+s3], $0x80, v3, vm0, $0xb8;
	[tilespmem:$0x18400] =	vst v63  }
0x73: {  	v3 =	vld [tilespmem:$0x50];
	_ =	sdelay $0x4  }
0x74: {  	v61 =	vshrl.u32 v3, $0x3  }
0x75: {  	v4 =	vmul.u32 $0x30, v61  }
0x76: {  	v3 =	vand.u32 $0x7, v3  }
0x77: {  	v3 =	vor.u32 v3, v4  }
0x78: {  	v4 =	vperm.xlane v3, v0;
	_ =	sdelay $0x1  }
0x79: {  	v4 =	vadd.s32 v1, v4;
	_ =	sdelay $0x3  }
0x7a: {  	s16 =	simm.s32 $0xF400;
	v3 =	vperm.xlane v3, v2  }
0x7b: {  	[tilespmem:s16], [sflag:$0x3] =	stream.indirect_vreg.gather [hbm4b:s2+s3], $0x80, v4, vm0, $0xb8;
	[tilespmem:$0x18400] =	vst v63  }
0x7c: {  	s20 =	simm.s32 $0xFC00;
	v3 =	vadd.s32 v1, v3  }
0x7d: {  	[tilespmem:s20], [sflag:$0x3] =	stream.indirect_vreg.gather [hbm4b:s4+s3], $0x80, v4, vm0, $0xb8;
	[tilespmem:$0x18400] =	vst v63  }
0x7e: {  	s22 =	simm.s32 $0x10400  }
0x7f: {  	[tilespmem:s22], [sflag:$0x3] =	stream.indirect_vreg.gather [hbm4b:s5+s3], $0x80, v4, vm0, $0xb8;
	[tilespmem:$0x18400] =	vst v63  }
0x80: {  	s6 =	simm.s32 $0x10C00  }
0x81: {  	[tilespmem:s6], [sflag:$0x3] =	stream.indirect_vreg.gather [hbm4b:s2+s3], $0x80, v3, vm0, $0xb8;
	[tilespmem:$0x18400] =	vst v63  }
0x82: {  	s15 =	simm.s32 $0x11400  }
0x83: {  	[tilespmem:s15], [sflag:$0x3] =	stream.indirect_vreg.gather [hbm4b:s4+s3], $0x80, v3, vm0, $0xb8;
	[tilespmem:$0x18400] =	vst v63  }
0x84: {  	s16 =	simm.s32 $0x11C00  }
0x85: {  	[tilespmem:s16], [sflag:$0x3] =	stream.indirect_vreg.gather [hbm4b:s5+s3], $0x80, v3, vm0, $0xb8;
	[tilespmem:$0x18400] =	vst v63  }
0x86: {  	_ =	swait.ge [sflag:s18], $0x6000  }
0x87: {  	[sflag:s18] =	ssyncset.done $0x0  }
0x88: {  	[sflag:s18] =	ssyncadd.s32 $0xFFFFA000  }
0x89: {  	v3 =	vld [tilespmem:$0x60];
	_ =	sdelay $0x4  }
0x8a: {  	v62 =	vshrl.u32 v3, $0x3  }
0x8b: {  	v4 =	vmul.u32 $0x30, v62  }
0x8c: {  	v3 =	vand.u32 $0x7, v3  }
0x8d: {  	v3 =	vor.u32 v3, v4  }
0x8e: {  	v4 =	vperm.xlane v3, v0;
	_ =	sdelay $0x1  }
0x8f: {  	v4 =	vadd.s32 v1, v4;
	_ =	sdelay $0x3  }
0x90: {  	s20 =	simm.s32 $0x12400;
	v3 =	vperm.xlane v3, v2  }
0x91: {  	[tilespmem:s20], [sflag:$0x4] =	stream.indirect_vreg.gather [hbm4b:s2+s3], $0x80, v4, vm0, $0xb8;
	[tilespmem:$0x18400] =	vst v63  }
0x92: {  	s22 =	simm.s32 $0x12C00;
	v3 =	vadd.s32 v1, v3  }
0x93: {  	[tilespmem:s22], [sflag:$0x4] =	stream.indirect_vreg.gather [hbm4b:s4+s3], $0x80, v4, vm0, $0xb8;
	[tilespmem:$0x18400] =	vst v63  }
0x94: {  	s6 =	simm.s32 $0x13400  }
0x95: {  	[tilespmem:s6], [sflag:$0x4] =	stream.indirect_vreg.gather [hbm4b:s5+s3], $0x80, v4, vm0, $0xb8;
	[tilespmem:$0x18400] =	vst v63  }
0x96: {  	s20 =	simm.s32 $0x13C00  }
0x97: {  	[tilespmem:s20], [sflag:$0x4] =	stream.indirect_vreg.gather [hbm4b:s2+s3], $0x80, v3, vm0, $0xb8;
	[tilespmem:$0x18400] =	vst v63  }
0x98: {  	s22 =	simm.s32 $0x14400  }
0x99: {  	[tilespmem:s22], [sflag:$0x4] =	stream.indirect_vreg.gather [hbm4b:s4+s3], $0x80, v3, vm0, $0xb8;
	[tilespmem:$0x18400] =	vst v63  }
0x9a: {  	s6 =	simm.s32 $0x14C00  }
0x9b: {  	[tilespmem:s6], [sflag:$0x4] =	stream.indirect_vreg.gather [hbm4b:s5+s3], $0x80, v3, vm0, $0xb8;
	[tilespmem:$0x18400] =	vst v63  }
0x9c: {  	v3 =	vld [tilespmem:$0x70];
	_ =	sdelay $0x4  }
0x9d: {  	v63 =	vshrl.u32 v3, $0x3  }
0x9e: {  	v4 =	vmul.u32 $0x30, v63  }
0x9f: {  	v3 =	vand.u32 $0x7, v3  }
0xa0: {  	v3 =	vor.u32 v3, v4  }
0xa1: {  	v4 =	vperm.xlane v3, v0;
	_ =	sdelay $0x1  }
0xa2: {  	v4 =	vadd.s32 v1, v4;
	_ =	sdelay $0x3  }
0xa3: {  	s20 =	simm.s32 $0x15400;
	v3 =	vperm.xlane v3, v2  }
0xa4: {  	[tilespmem:s20], [sflag:$0x4] =	stream.indirect_vreg.gather [hbm4b:s2+s3], $0x80, v4, vm0, $0xb8;
	[tilespmem:$0x18400] =	vst v63  }
0xa5: {  	s22 =	simm.s32 $0x15C00;
	v3 =	vadd.s32 v1, v3  }
0xa6: {  	[tilespmem:s22], [sflag:$0x4] =	stream.indirect_vreg.gather [hbm4b:s4+s3], $0x80, v4, vm0, $0xb8;
	[tilespmem:$0x18400] =	vst v63  }
0xa7: {  	s6 =	simm.s32 $0x16400  }
0xa8: {  	[tilespmem:s6], [sflag:$0x4] =	stream.indirect_vreg.gather [hbm4b:s5+s3], $0x80, v4, vm0, $0xb8;
	[tilespmem:$0x18400] =	vst v63  }
0xa9: {  	s22 =	simm.s32 $0x16C00  }
0xaa: {  	[tilespmem:s22], [sflag:$0x4] =	stream.indirect_vreg.gather [hbm4b:s2+s3], $0x80, v3, vm0, $0xb8;
	[tilespmem:$0x18400] =	vst v63  }
0xab: {  	s6 =	simm.s32 $0x17400  }
0xac: {  	[tilespmem:s6], [sflag:$0x4] =	stream.indirect_vreg.gather [hbm4b:s4+s3], $0x80, v3, vm0, $0xb8;
	[tilespmem:$0x18400] =	vst v63  }
0xad: {  	s21 =	simm.s32 $0x17C00  }
0xae: {  	[tilespmem:s21], [sflag:$0x4] =	stream.indirect_vreg.gather [hbm4b:s5+s3], $0x80, v3, vm0, $0xb8;
	[tilespmem:$0x18400] =	vst v63  }
0xaf: {  	_ =	swait.ge [sflag:s0], $0x6000  }
0xb0: {  	[sflag:s0] =	ssyncset.done $0x0  }
0xb1: {  	[sflag:s0] =	ssyncadd.s32 $0xFFFFA000  }
0xb2: {  	v3 =	vld [tilespmem:$0x80];
	_ =	sdelay $0x4  }
0xb3: {  	v8 =	vshrl.u32 v3, $0x3  }
0xb4: {  	v4 =	vmul.u32 $0x30, v8  }
0xb5: {  	v3 =	vand.u32 $0x7, v3  }
0xb6: {  	v3 =	vor.u32 v3, v4  }
0xb7: {  	v4 =	vperm.xlane v3, v0;
	_ =	sdelay $0x1  }
0xb8: {  	v4 =	vadd.s32 v1, v4;
	_ =	sdelay $0x3  }
0xb9: {  	s30 =	simm.s32 $0x400;
	v3 =	vperm.xlane v3, v2  }
0xba: {  	[tilespmem:s30], [sflag:$0x1] =	stream.indirect_vreg.gather [hbm4b:s2+s3], $0x80, v4, vm0, $0xb8;
	[tilespmem:$0x18400] =	vst v63  }
0xbb: {  	s26 =	simm.s32 $0xC00;
	v3 =	vadd.s32 v1, v3  }
0xbc: {  	[tilespmem:s26], [sflag:$0x1] =	stream.indirect_vreg.gather [hbm4b:s4+s3], $0x80, v4, vm0, $0xb8;
	[tilespmem:$0x18400] =	vst v63  }
0xbd: {  	s28 =	simm.s32 $0x1400  }
0xbe: {  	[tilespmem:s28], [sflag:$0x1] =	stream.indirect_vreg.gather [hbm4b:s5+s3], $0x80, v4, vm0, $0xb8;
	[tilespmem:$0x18400] =	vst v63  }
0xbf: {  	s29 =	simm.s32 $0x1C00  }
0xc0: {  	[tilespmem:s29], [sflag:$0x1] =	stream.indirect_vreg.gather [hbm4b:s2+s3], $0x80, v3, vm0, $0xb8;
	[tilespmem:$0x18400] =	vst v63  }
0xc1: {  	s30 =	simm.s32 $0x2400  }
0xc2: {  	[tilespmem:s30], [sflag:$0x1] =	stream.indirect_vreg.gather [hbm4b:s4+s3], $0x80, v3, vm0, $0xb8;
	[tilespmem:$0x18400] =	vst v63  }
0xc3: {  	s31 =	simm.s32 $0x2C00  }
0xc4: {  	[tilespmem:s31], [sflag:$0x1] =	stream.indirect_vreg.gather [hbm4b:s5+s3], $0x80, v3, vm0, $0xb8;
	[tilespmem:$0x18400] =	vst v63  }
0xc5: {  	v3 =	vld [tilespmem:$0x90];
	_ =	sdelay $0x4  }
0xc6: {  	v9 =	vshrl.u32 v3, $0x3  }
0xc7: {  	v4 =	vmul.u32 $0x30, v9  }
0xc8: {  	v3 =	vand.u32 $0x7, v3  }
0xc9: {  	v3 =	vor.u32 v3, v4  }
0xca: {  	v4 =	vperm.xlane v3, v0;
	_ =	sdelay $0x1  }
0xcb: {  	v4 =	vadd.s32 v1, v4;
	_ =	sdelay $0x3  }
0xcc: {  	s28 =	simm.s32 $0x3400;
	v3 =	vperm.xlane v3, v2  }
0xcd: {  	[tilespmem:s28], [sflag:$0x1] =	stream.indirect_vreg.gather [hbm4b:s2+s3], $0x80, v4, vm0, $0xb8;
	[tilespmem:$0x18400] =	vst v63  }
0xce: {  	s24 =	simm.s32 $0x3C00;
	v3 =	vadd.s32 v1, v3  }
0xcf: {  	[tilespmem:s24], [sflag:$0x1] =	stream.indirect_vreg.gather [hbm4b:s4+s3], $0x80, v4, vm0, $0xb8;
	[tilespmem:$0x18400] =	vst v63  }
0xd0: {  	s31 =	simm.s32 $0x4400  }
0xd1: {  	[tilespmem:s31], [sflag:$0x1] =	stream.indirect_vreg.gather [hbm4b:s5+s3], $0x80, v4, vm0, $0xb8;
	[tilespmem:$0x18400] =	vst v63  }
0xd2: {  	s24 =	simm.s32 $0x4C00  }
0xd3: {  	[tilespmem:s24], [sflag:$0x1] =	stream.indirect_vreg.gather [hbm4b:s2+s3], $0x80, v3, vm0, $0xb8;
	[tilespmem:$0x18400] =	vst v63  }
0xd4: {  	s29 =	simm.s32 $0x5400  }
0xd5: {  	[tilespmem:s29], [sflag:$0x1] =	stream.indirect_vreg.gather [hbm4b:s4+s3], $0x80, v3, vm0, $0xb8;
	[tilespmem:$0x18400] =	vst v63  }
0xd6: {  	s21 =	simm.s32 $0x5C00  }
0xd7: {  	[tilespmem:s21], [sflag:$0x1] =	stream.indirect_vreg.gather [hbm4b:s5+s3], $0x80, v3, vm0, $0xb8;
	[tilespmem:$0x18400] =	vst v63  }
0xd8: {  	_ =	swait.ge [sflag:s1], $0x6000  }
0xd9: {  	[sflag:s1] =	ssyncset.done $0x0  }
0xda: {  	[sflag:s1] =	ssyncadd.s32 $0xFFFFA000  }
0xdb: {  	v3 =	vld [tilespmem:$0xA0];
	_ =	sdelay $0x4  }
0xdc: {  	v10 =	vshrl.u32 v3, $0x3  }
0xdd: {  	v4 =	vmul.u32 $0x30, v10  }
0xde: {  	v3 =	vand.u32 $0x7, v3  }
0xdf: {  	v3 =	vor.u32 v3, v4  }
0xe0: {  	v4 =	vperm.xlane v3, v0;
	_ =	sdelay $0x1  }
0xe1: {  	v4 =	vadd.s32 v1, v4;
	_ =	sdelay $0x3  }
0xe2: {  	s25 =	simm.s32 $0x6400;
	v3 =	vperm.xlane v3, v2  }
0xe3: {  	[tilespmem:s25], [sflag:$0x2] =	stream.indirect_vreg.gather [hbm4b:s2+s3], $0x80, v4, vm0, $0xb8;
	[tilespmem:$0x18400] =	vst v63  }
0xe4: {  	s9 =	simm.s32 $0x6C00;
	v3 =	vadd.s32 v1, v3  }
0xe5: {  	[tilespmem:s9], [sflag:$0x2] =	stream.indirect_vreg.gather [hbm4b:s4+s3], $0x80, v4, vm0, $0xb8;
	[tilespmem:$0x18400] =	vst v63  }
0xe6: {  	s10 =	simm.s32 $0x7400  }
0xe7: {  	[tilespmem:s10], [sflag:$0x2] =	stream.indirect_vreg.gather [hbm4b:s5+s3], $0x80, v4, vm0, $0xb8;
	[tilespmem:$0x18400] =	vst v63  }
0xe8: {  	s13 =	simm.s32 $0x7C00  }
0xe9: {  	[tilespmem:s13], [sflag:$0x2] =	stream.indirect_vreg.gather [hbm4b:s2+s3], $0x80, v3, vm0, $0xb8;
	[tilespmem:$0x18400] =	vst v63  }
0xea: {  	s14 =	simm.s32 $0x8400  }
0xeb: {  	[tilespmem:s14], [sflag:$0x2] =	stream.indirect_vreg.gather [hbm4b:s4+s3], $0x80, v3, vm0, $0xb8;
	[tilespmem:$0x18400] =	vst v63  }
0xec: {  	s26 =	simm.s32 $0x8C00  }
0xed: {  	[tilespmem:s26], [sflag:$0x2] =	stream.indirect_vreg.gather [hbm4b:s5+s3], $0x80, v3, vm0, $0xb8;
	[tilespmem:$0x18400] =	vst v63  }
0xee: {  	v3 =	vld [tilespmem:$0xB0];
	_ =	sdelay $0x4  }
0xef: {  	v11 =	vshrl.u32 v3, $0x3  }
0xf0: {  	v4 =	vmul.u32 $0x30, v11  }
0xf1: {  	v3 =	vand.u32 $0x7, v3  }
0xf2: {  	v3 =	vor.u32 v3, v4  }
0xf3: {  	v4 =	vperm.xlane v3, v0;
	_ =	sdelay $0x1  }
0xf4: {  	v4 =	vadd.s32 v1, v4;
	_ =	sdelay $0x3  }
0xf5: {  	s28 =	simm.s32 $0x9400;
	v3 =	vperm.xlane v3, v2  }
0xf6: {  	[tilespmem:s28], [sflag:$0x2] =	stream.indirect_vreg.gather [hbm4b:s2+s3], $0x80, v4, vm0, $0xb8;
	[tilespmem:$0x18400] =	vst v63  }
0xf7: {  	s17 =	simm.s32 $0x9C00;
	v3 =	vadd.s32 v1, v3  }
0xf8: {  	[tilespmem:s17], [sflag:$0x2] =	stream.indirect_vreg.gather [hbm4b:s4+s3], $0x80, v4, vm0, $0xb8;
	[tilespmem:$0x18400] =	vst v63  }
0xf9: {  	s19 =	simm.s32 $0xA400  }
0xfa: {  	[tilespmem:s19], [sflag:$0x2] =	stream.indirect_vreg.gather [hbm4b:s5+s3], $0x80, v4, vm0, $0xb8;
	[tilespmem:$0x18400] =	vst v63  }
0xfb: {  	s23 =	simm.s32 $0xAC00  }
0xfc: {  	[tilespmem:s23], [sflag:$0x2] =	stream.indirect_vreg.gather [hbm4b:s2+s3], $0x80, v3, vm0, $0xb8;
	[tilespmem:$0x18400] =	vst v63  }
0xfd: {  	s25 =	simm.s32 $0xB400  }
0xfe: {  	[tilespmem:s25], [sflag:$0x2] =	stream.indirect_vreg.gather [hbm4b:s4+s3], $0x80, v3, vm0, $0xb8;
	[tilespmem:$0x18400] =	vst v63  }
0xff: {  	s29 =	simm.s32 $0xBC00  }
0x100: {  	[tilespmem:s29], [sflag:$0x2] =	stream.indirect_vreg.gather [hbm4b:s5+s3], $0x80, v3, vm0, $0xb8;
	[tilespmem:$0x18400] =	vst v63  }
0x101: {  	_ =	swait.ge [sflag:s7], $0x6000  }
0x102: {  	[sflag:s7] =	ssyncset.done $0x0  }
0x103: {  	[sflag:s7] =	ssyncadd.s32 $0xFFFFA000  }
0x104: {  	v3 =	vld [tilespmem:$0xC0];
	_ =	sdelay $0x4  }
0x105: {  	v12 =	vshrl.u32 v3, $0x3  }
0x106: {  	v4 =	vmul.u32 $0x30, v12  }
0x107: {  	v3 =	vand.u32 $0x7, v3  }
0x108: {  	v3 =	vor.u32 v3, v4  }
0x109: {  	v4 =	vperm.xlane v3, v0;
	_ =	sdelay $0x1  }
0x10a: {  	v4 =	vadd.s32 v1, v4;
	_ =	sdelay $0x3  }
0x10b: {  	s8 =	simm.s32 $0xC400;
	v3 =	vperm.xlane v3, v2  }
0x10c: {  	[tilespmem:s8], [sflag:$0x3] =	stream.indirect_vreg.gather [hbm4b:s2+s3], $0x80, v4, vm0, $0xb8;
	[tilespmem:$0x18400] =	vst v63  }
0x10d: {  	v3 =	vadd.s32 v1, v3;
	s8 =	simm.s32 $0xCC00  }
0x10e: {  	[tilespmem:s8], [sflag:$0x3] =	stream.indirect_vreg.gather [hbm4b:s4+s3], $0x80, v4, vm0, $0xb8;
	[tilespmem:$0x18400] =	vst v63  }
0x10f: {  	s23 =	simm.s32 $0xD400  }
0x110: {  	[tilespmem:s23], [sflag:$0x3] =	stream.indirect_vreg.gather [hbm4b:s5+s3], $0x80, v4, vm0, $0xb8;
	[tilespmem:$0x18400] =	vst v63  }
0x111: {  	s10 =	simm.s32 $0xDC00  }
0x112: {  	[tilespmem:s10], [sflag:$0x3] =	stream.indirect_vreg.gather [hbm4b:s2+s3], $0x80, v3, vm0, $0xb8;
	[tilespmem:$0x18400] =	vst v63  }
0x113: {  	s9 =	simm.s32 $0xE400  }
0x114: {  	[tilespmem:s9], [sflag:$0x3] =	stream.indirect_vreg.gather [hbm4b:s4+s3], $0x80, v3, vm0, $0xb8;
	[tilespmem:$0x18400] =	vst v63  }
0x115: {  	s12 =	simm.s32 $0xEC00  }
0x116: {  	[tilespmem:s12], [sflag:$0x3] =	stream.indirect_vreg.gather [hbm4b:s5+s3], $0x80, v3, vm0, $0xb8;
	[tilespmem:$0x18400] =	vst v63  }
0x117: {  	v3 =	vld [tilespmem:$0xD0];
	_ =	sdelay $0x4  }
0x118: {  	v13 =	vshrl.u32 v3, $0x3  }
0x119: {  	v4 =	vmul.u32 $0x30, v13  }
0x11a: {  	v3 =	vand.u32 $0x7, v3  }
0x11b: {  	v3 =	vor.u32 v3, v4  }
0x11c: {  	v4 =	vperm.xlane v3, v0;
	_ =	sdelay $0x1  }
0x11d: {  	v4 =	vadd.s32 v1, v4;
	_ =	sdelay $0x3  }
0x11e: {  	s11 =	simm.s32 $0xF400;
	v3 =	vperm.xlane v3, v2  }
0x11f: {  	[tilespmem:s11], [sflag:$0x3] =	stream.indirect_vreg.gather [hbm4b:s2+s3], $0x80, v4, vm0, $0xb8;
	[tilespmem:$0x18400] =	vst v63  }
0x120: {  	s12 =	simm.s32 $0xFC00;
	v3 =	vadd.s32 v1, v3  }
0x121: {  	[tilespmem:s12], [sflag:$0x3] =	stream.indirect_vreg.gather [hbm4b:s4+s3], $0x80, v4, vm0, $0xb8;
	[tilespmem:$0x18400] =	vst v63  }
0x122: {  	s11 =	simm.s32 $0x10400  }
0x123: {  	[tilespmem:s11], [sflag:$0x3] =	stream.indirect_vreg.gather [hbm4b:s5+s3], $0x80, v4, vm0, $0xb8;
	[tilespmem:$0x18400] =	vst v63  }
0x124: {  	s14 =	simm.s32 $0x10C00  }
0x125: {  	[tilespmem:s14], [sflag:$0x3] =	stream.indirect_vreg.gather [hbm4b:s2+s3], $0x80, v3, vm0, $0xb8;
	[tilespmem:$0x18400] =	vst v63  }
0x126: {  	s13 =	simm.s32 $0x11400  }
0x127: {  	[tilespmem:s13], [sflag:$0x3] =	stream.indirect_vreg.gather [hbm4b:s4+s3], $0x80, v3, vm0, $0xb8;
	[tilespmem:$0x18400] =	vst v63  }
0x128: {  	s16 =	simm.s32 $0x11C00  }
0x129: {  	[tilespmem:s16], [sflag:$0x3] =	stream.indirect_vreg.gather [hbm4b:s5+s3], $0x80, v3, vm0, $0xb8;
	[tilespmem:$0x18400] =	vst v63  }
0x12a: {  	_ =	swait.ge [sflag:s18], $0x6000  }
0x12b: {  	[sflag:s18] =	ssyncset.done $0x0  }
0x12c: {  	[sflag:s18] =	ssyncadd.s32 $0xFFFFA000  }
0x12d: {  	v3 =	vld [tilespmem:$0xE0];
	_ =	sdelay $0x4  }
0x12e: {  	v14 =	vshrl.u32 v3, $0x3  }
0x12f: {  	v4 =	vmul.u32 $0x30, v14  }
0x130: {  	v3 =	vand.u32 $0x7, v3  }
0x131: {  	v3 =	vor.u32 v3, v4  }
0x132: {  	v4 =	vperm.xlane v3, v0;
	_ =	sdelay $0x1  }
0x133: {  	v4 =	vadd.s32 v1, v4;
	_ =	sdelay $0x3  }
0x134: {  	s15 =	simm.s32 $0x12400;
	v3 =	vperm.xlane v3, v2  }
0x135: {  	[tilespmem:s15], [sflag:$0x4] =	stream.indirect_vreg.gather [hbm4b:s2+s3], $0x80, v4, vm0, $0xb8;
	[tilespmem:$0x18400] =	vst v63  }
0x136: {  	s16 =	simm.s32 $0x12C00;
	v3 =	vadd.s32 v1, v3  }
0x137: {  	[tilespmem:s16], [sflag:$0x4] =	stream.indirect_vreg.gather [hbm4b:s4+s3], $0x80, v4, vm0, $0xb8;
	[tilespmem:$0x18400] =	vst v63  }
0x138: {  	s15 =	simm.s32 $0x13400  }
0x139: {  	[tilespmem:s15], [sflag:$0x4] =	stream.indirect_vreg.gather [hbm4b:s5+s3], $0x80, v4, vm0, $0xb8;
	[tilespmem:$0x18400] =	vst v63  }
0x13a: {  	s19 =	simm.s32 $0x13C00  }
0x13b: {  	[tilespmem:s19], [sflag:$0x4] =	stream.indirect_vreg.gather [hbm4b:s2+s3], $0x80, v3, vm0, $0xb8;
	[tilespmem:$0x18400] =	vst v63  }
0x13c: {  	s17 =	simm.s32 $0x14400  }
0x13d: {  	[tilespmem:s17], [sflag:$0x4] =	stream.indirect_vreg.gather [hbm4b:s4+s3], $0x80, v3, vm0, $0xb8;
	[tilespmem:$0x18400] =	vst v63  }
0x13e: {  	s23 =	simm.s32 $0x14C00  }
0x13f: {  	[tilespmem:s23], [sflag:$0x4] =	stream.indirect_vreg.gather [hbm4b:s5+s3], $0x80, v3, vm0, $0xb8;
	[tilespmem:$0x18400] =	vst v63  }
0x140: {  	v3 =	vld [tilespmem:$0xF0];
	_ =	sdelay $0x4  }
0x141: {  	v15 =	vshrl.u32 v3, $0x3  }
0x142: {  	v4 =	vmul.u32 $0x30, v15  }
0x143: {  	v3 =	vand.u32 $0x7, v3  }
0x144: {  	v3 =	vor.u32 v3, v4  }
0x145: {  	v4 =	vperm.xlane v3, v0;
	_ =	sdelay $0x1  }
0x146: {  	v4 =	vadd.s32 v1, v4;
	_ =	sdelay $0x3  }
0x147: {  	s20 =	simm.s32 $0x15400;
	v3 =	vperm.xlane v3, v2  }
0x148: {  	[tilespmem:s20], [sflag:$0x4] =	stream.indirect_vreg.gather [hbm4b:s2+s3], $0x80, v4, vm0, $0xb8;
	[tilespmem:$0x18400] =	vst v63  }
0x149: {  	s21 =	simm.s32 $0x15C00;
	v3 =	vadd.s32 v1, v3  }
0x14a: {  	[tilespmem:s21], [sflag:$0x4] =	stream.indirect_vreg.gather [hbm4b:s4+s3], $0x80, v4, vm0, $0xb8;
	[tilespmem:$0x18400] =	vst v63  }
0x14b: {  	s20 =	simm.s32 $0x16400  }
0x14c: {  	[tilespmem:s20], [sflag:$0x4] =	stream.indirect_vreg.gather [hbm4b:s5+s3], $0x80, v4, vm0, $0xb8;
	[tilespmem:$0x18400] =	vst v63  }
0x14d: {  	s22 =	simm.s32 $0x16C00  }
0x14e: {  	[tilespmem:s22], [sflag:$0x4] =	stream.indirect_vreg.gather [hbm4b:s2+s3], $0x80, v3, vm0, $0xb8;
	[tilespmem:$0x18400] =	vst v63  }
0x14f: {  	s22 =	simm.s32 $0x17400  }
0x150: {  	[tilespmem:s22], [sflag:$0x4] =	stream.indirect_vreg.gather [hbm4b:s4+s3], $0x80, v3, vm0, $0xb8;
	[tilespmem:$0x18400] =	vst v63  }
0x151: {  	s6 =	simm.s32 $0x17C00  }
0x152: {  	[tilespmem:s6], [sflag:$0x4] =	stream.indirect_vreg.gather [hbm4b:s5+s3], $0x80, v3, vm0, $0xb8;
	[tilespmem:$0x18400] =	vst v63  }
0x153: {  	_ =	swait.ge [sflag:s0], $0x6000  }
0x154: {  	[sflag:s0] =	ssyncset.done $0x0  }
0x155: {  	[sflag:s0] =	ssyncadd.s32 $0xFFFFA000  }
0x156: {  	v3 =	vld [tilespmem:$0x100];
	_ =	sdelay $0x4  }
0x157: {  	v16 =	vshrl.u32 v3, $0x3  }
0x158: {  	v4 =	vmul.u32 $0x30, v16  }
0x159: {  	v3 =	vand.u32 $0x7, v3  }
0x15a: {  	v3 =	vor.u32 v3, v4  }
0x15b: {  	v4 =	vperm.xlane v3, v0;
	_ =	sdelay $0x1  }
0x15c: {  	v4 =	vadd.s32 v1, v4;
	_ =	sdelay $0x3  }
0x15d: {  	s6 =	simm.s32 $0x400;
	v3 =	vperm.xlane v3, v2  }
0x15e: {  	[tilespmem:s6], [sflag:$0x1] =	stream.indirect_vreg.gather [hbm4b:s2+s3], $0x80, v4, vm0, $0xb8;
	[tilespmem:$0x18400] =	vst v63  }
0x15f: {  	v3 =	vadd.s32 v1, v3;
	s6 =	simm.s32 $0xC00  }
0x160: {  	[tilespmem:s6], [sflag:$0x1] =	stream.indirect_vreg.gather [hbm4b:s4+s3], $0x80, v4, vm0, $0xb8;
	[tilespmem:$0x18400] =	vst v63  }
0x161: {  	s6 =	simm.s32 $0x1400  }
0x162: {  	[tilespmem:s6], [sflag:$0x1] =	stream.indirect_vreg.gather [hbm4b:s5+s3], $0x80, v4, vm0, $0xb8;
	[tilespmem:$0x18400] =	vst v63  }
0x163: {  	s6 =	simm.s32 $0x1C00  }
0x164: {  	[tilespmem:s6], [sflag:$0x1] =	stream.indirect_vreg.gather [hbm4b:s2+s3], $0x80, v3, vm0, $0xb8;
	[tilespmem:$0x18400] =	vst v63  }
0x165: {  	_ = 	snop  }
0x166: {  	[tilespmem:s30], [sflag:$0x1] =	stream.indirect_vreg.gather [hbm4b:s4+s3], $0x80, v3, vm0, $0xb8;
	[tilespmem:$0x18400] =	vst v63  }
0x167: {  	s30 =	simm.s32 $0x2C00  }
0x168: {  	[tilespmem:s30], [sflag:$0x1] =	stream.indirect_vreg.gather [hbm4b:s5+s3], $0x80, v3, vm0, $0xb8;
	[tilespmem:$0x18400] =	vst v63  }
0x169: {  	v3 =	vld [tilespmem:$0x110];
	_ =	sdelay $0x4  }
0x16a: {  	v17 =	vshrl.u32 v3, $0x3  }
0x16b: {  	v4 =	vmul.u32 $0x30, v17  }
0x16c: {  	v3 =	vand.u32 $0x7, v3  }
0x16d: {  	v3 =	vor.u32 v3, v4  }
0x16e: {  	v4 =	vperm.xlane v3, v0;
	_ =	sdelay $0x1  }
0x16f: {  	v4 =	vadd.s32 v1, v4;
	_ =	sdelay $0x3  }
0x170: {  	s30 =	simm.s32 $0x3400;
	v3 =	vperm.xlane v3, v2  }
0x171: {  	[tilespmem:s30], [sflag:$0x1] =	stream.indirect_vreg.gather [hbm4b:s2+s3], $0x80, v4, vm0, $0xb8;
	[tilespmem:$0x18400] =	vst v63  }
0x172: {  	s6 =	simm.s32 $0x3C00;
	v3 =	vadd.s32 v1, v3  }
0x173: {  	[tilespmem:s6], [sflag:$0x1] =	stream.indirect_vreg.gather [hbm4b:s4+s3], $0x80, v4, vm0, $0xb8;
	[tilespmem:$0x18400] =	vst v63  }
0x174: {  	_ = 	snop  }
0x175: {  	[tilespmem:s31], [sflag:$0x1] =	stream.indirect_vreg.gather [hbm4b:s5+s3], $0x80, v4, vm0, $0xb8;
	[tilespmem:$0x18400] =	vst v63  }
0x176: {  	_ = 	snop  }
0x177: {  	[tilespmem:s24], [sflag:$0x1] =	stream.indirect_vreg.gather [hbm4b:s2+s3], $0x80, v3, vm0, $0xb8;
	[tilespmem:$0x18400] =	vst v63  }
0x178: {  	s6 =	simm.s32 $0x5400  }
0x179: {  	[tilespmem:s6], [sflag:$0x1] =	stream.indirect_vreg.gather [hbm4b:s4+s3], $0x80, v3, vm0, $0xb8;
	[tilespmem:$0x18400] =	vst v63  }
0x17a: {  	s30 =	simm.s32 $0x5C00  }
0x17b: {  	[tilespmem:s30], [sflag:$0x1] =	stream.indirect_vreg.gather [hbm4b:s5+s3], $0x80, v3, vm0, $0xb8;
	[tilespmem:$0x18400] =	vst v63  }
0x17c: {  	_ =	swait.ge [sflag:s1], $0x6000  }
0x17d: {  	[sflag:s1] =	ssyncset.done $0x0  }
0x17e: {  	[sflag:s1] =	ssyncadd.s32 $0xFFFFA000  }
0x17f: {  	v3 =	vld [tilespmem:$0x120];
	_ =	sdelay $0x4  }
0x180: {  	v18 =	vshrl.u32 v3, $0x3  }
0x181: {  	v4 =	vmul.u32 $0x30, v18  }
0x182: {  	v3 =	vand.u32 $0x7, v3  }
0x183: {  	v3 =	vor.u32 v3, v4  }
0x184: {  	v4 =	vperm.xlane v3, v0;
	_ =	sdelay $0x1  }
0x185: {  	v4 =	vadd.s32 v1, v4;
	_ =	sdelay $0x3  }
0x186: {  	s24 =	simm.s32 $0x6400;
	v3 =	vperm.xlane v3, v2  }
0x187: {  	[tilespmem:s24], [sflag:$0x2] =	stream.indirect_vreg.gather [hbm4b:s2+s3], $0x80, v4, vm0, $0xb8;
	[tilespmem:$0x18400] =	vst v63  }
0x188: {  	s30 =	simm.s32 $0x6C00;
	v3 =	vadd.s32 v1, v3  }
0x189: {  	[tilespmem:s30], [sflag:$0x2] =	stream.indirect_vreg.gather [hbm4b:s4+s3], $0x80, v4, vm0, $0xb8;
	[tilespmem:$0x18400] =	vst v63  }
0x18a: {  	s24 =	simm.s32 $0x7400  }
0x18b: {  	[tilespmem:s24], [sflag:$0x2] =	stream.indirect_vreg.gather [hbm4b:s5+s3], $0x80, v4, vm0, $0xb8;
	[tilespmem:$0x18400] =	vst v63  }
0x18c: {  	s30 =	simm.s32 $0x7C00  }
0x18d: {  	[tilespmem:s30], [sflag:$0x2] =	stream.indirect_vreg.gather [hbm4b:s2+s3], $0x80, v3, vm0, $0xb8;
	[tilespmem:$0x18400] =	vst v63  }
0x18e: {  	s24 =	simm.s32 $0x8400  }
0x18f: {  	[tilespmem:s24], [sflag:$0x2] =	stream.indirect_vreg.gather [hbm4b:s4+s3], $0x80, v3, vm0, $0xb8;
	[tilespmem:$0x18400] =	vst v63  }
0x190: {  	_ = 	snop  }
0x191: {  	[tilespmem:s26], [sflag:$0x2] =	stream.indirect_vreg.gather [hbm4b:s5+s3], $0x80, v3, vm0, $0xb8;
	[tilespmem:$0x18400] =	vst v63  }
0x192: {  	v3 =	vld [tilespmem:$0x130];
	_ =	sdelay $0x4  }
0x193: {  	v19 =	vshrl.u32 v3, $0x3  }
0x194: {  	v4 =	vmul.u32 $0x30, v19  }
0x195: {  	v3 =	vand.u32 $0x7, v3  }
0x196: {  	v3 =	vor.u32 v3, v4  }
0x197: {  	v4 =	vperm.xlane v3, v0;
	_ =	sdelay $0x1  }
0x198: {  	v4 =	vadd.s32 v1, v4;
	_ =	sdelay $0x3  }
0x199: {  	v3 =	vperm.xlane v3, v2  }
0x19a: {  	[tilespmem:s28], [sflag:$0x2] =	stream.indirect_vreg.gather [hbm4b:s2+s3], $0x80, v4, vm0, $0xb8;
	[tilespmem:$0x18400] =	vst v63  }
0x19b: {  	s26 =	simm.s32 $0x9C00;
	v3 =	vadd.s32 v1, v3  }
0x19c: {  	[tilespmem:s26], [sflag:$0x2] =	stream.indirect_vreg.gather [hbm4b:s4+s3], $0x80, v4, vm0, $0xb8;
	[tilespmem:$0x18400] =	vst v63  }
0x19d: {  	s30 =	simm.s32 $0xA400  }
0x19e: {  	[tilespmem:s30], [sflag:$0x2] =	stream.indirect_vreg.gather [hbm4b:s5+s3], $0x80, v4, vm0, $0xb8;
	[tilespmem:$0x18400] =	vst v63  }
0x19f: {  	s26 =	simm.s32 $0xAC00  }
0x1a0: {  	[tilespmem:s26], [sflag:$0x2] =	stream.indirect_vreg.gather [hbm4b:s2+s3], $0x80, v3, vm0, $0xb8;
	[tilespmem:$0x18400] =	vst v63  }
0x1a1: {  	_ = 	snop  }
0x1a2: {  	[tilespmem:s25], [sflag:$0x2] =	stream.indirect_vreg.gather [hbm4b:s4+s3], $0x80, v3, vm0, $0xb8;
	[tilespmem:$0x18400] =	vst v63  }
0x1a3: {  	_ = 	snop  }
0x1a4: {  	[tilespmem:s29], [sflag:$0x2] =	stream.indirect_vreg.gather [hbm4b:s5+s3], $0x80, v3, vm0, $0xb8;
	[tilespmem:$0x18400] =	vst v63  }
0x1a5: {  	_ =	swait.ge [sflag:s7], $0x6000  }
0x1a6: {  	[sflag:s7] =	ssyncset.done $0x0  }
0x1a7: {  	[sflag:s7] =	ssyncadd.s32 $0xFFFFA000  }
0x1a8: {  	v3 =	vld [tilespmem:$0x140];
	_ =	sdelay $0x4  }
0x1a9: {  	v20 =	vshrl.u32 v3, $0x3  }
0x1aa: {  	v4 =	vmul.u32 $0x30, v20  }
0x1ab: {  	v3 =	vand.u32 $0x7, v3  }
0x1ac: {  	v3 =	vor.u32 v3, v4  }
0x1ad: {  	v4 =	vperm.xlane v3, v0;
	_ =	sdelay $0x1  }
0x1ae: {  	v4 =	vadd.s32 v1, v4;
	_ =	sdelay $0x3  }
0x1af: {  	s29 =	simm.s32 $0xC400;
	v3 =	vperm.xlane v3, v2  }
0x1b0: {  	[tilespmem:s29], [sflag:$0x3] =	stream.indirect_vreg.gather [hbm4b:s2+s3], $0x80, v4, vm0, $0xb8;
	[tilespmem:$0x18400] =	vst v63  }
0x1b1: {  	v3 =	vadd.s32 v1, v3  }
0x1b2: {  	[tilespmem:s8], [sflag:$0x3] =	stream.indirect_vreg.gather [hbm4b:s4+s3], $0x80, v4, vm0, $0xb8;
	[tilespmem:$0x18400] =	vst v63  }
0x1b3: {  	s30 =	simm.s32 $0xD400  }
0x1b4: {  	[tilespmem:s30], [sflag:$0x3] =	stream.indirect_vreg.gather [hbm4b:s5+s3], $0x80, v4, vm0, $0xb8;
	[tilespmem:$0x18400] =	vst v63  }
0x1b5: {  	_ = 	snop  }
0x1b6: {  	[tilespmem:s10], [sflag:$0x3] =	stream.indirect_vreg.gather [hbm4b:s2+s3], $0x80, v3, vm0, $0xb8;
	[tilespmem:$0x18400] =	vst v63  }
0x1b7: {  	_ = 	snop  }
0x1b8: {  	[tilespmem:s9], [sflag:$0x3] =	stream.indirect_vreg.gather [hbm4b:s4+s3], $0x80, v3, vm0, $0xb8;
	[tilespmem:$0x18400] =	vst v63  }
0x1b9: {  	s6 =	simm.s32 $0xEC00  }
0x1ba: {  	[tilespmem:s6], [sflag:$0x3] =	stream.indirect_vreg.gather [hbm4b:s5+s3], $0x80, v3, vm0, $0xb8;
	[tilespmem:$0x18400] =	vst v63  }
0x1bb: {  	v3 =	vld [tilespmem:$0x150];
	_ =	sdelay $0x4  }
0x1bc: {  	v21 =	vshrl.u32 v3, $0x3  }
0x1bd: {  	v4 =	vmul.u32 $0x30, v21  }
0x1be: {  	v3 =	vand.u32 $0x7, v3  }
0x1bf: {  	v3 =	vor.u32 v3, v4  }
0x1c0: {  	v4 =	vperm.xlane v3, v0;
	_ =	sdelay $0x1  }
0x1c1: {  	v4 =	vadd.s32 v1, v4;
	_ =	sdelay $0x3  }
0x1c2: {  	s30 =	simm.s32 $0xF400;
	v3 =	vperm.xlane v3, v2  }
0x1c3: {  	[tilespmem:s30], [sflag:$0x3] =	stream.indirect_vreg.gather [hbm4b:s2+s3], $0x80, v4, vm0, $0xb8;
	[tilespmem:$0x18400] =	vst v63  }
0x1c4: {  	v3 =	vadd.s32 v1, v3  }
0x1c5: {  	[tilespmem:s12], [sflag:$0x3] =	stream.indirect_vreg.gather [hbm4b:s4+s3], $0x80, v4, vm0, $0xb8;
	[tilespmem:$0x18400] =	vst v63  }
0x1c6: {  	_ = 	snop  }
0x1c7: {  	[tilespmem:s11], [sflag:$0x3] =	stream.indirect_vreg.gather [hbm4b:s5+s3], $0x80, v4, vm0, $0xb8;
	[tilespmem:$0x18400] =	vst v63  }
0x1c8: {  	_ = 	snop  }
0x1c9: {  	[tilespmem:s14], [sflag:$0x3] =	stream.indirect_vreg.gather [hbm4b:s2+s3], $0x80, v3, vm0, $0xb8;
	[tilespmem:$0x18400] =	vst v63  }
0x1ca: {  	_ = 	snop  }
0x1cb: {  	[tilespmem:s13], [sflag:$0x3] =	stream.indirect_vreg.gather [hbm4b:s4+s3], $0x80, v3, vm0, $0xb8;
	[tilespmem:$0x18400] =	vst v63  }
0x1cc: {  	s6 =	simm.s32 $0x11C00  }
0x1cd: {  	[tilespmem:s6], [sflag:$0x3] =	stream.indirect_vreg.gather [hbm4b:s5+s3], $0x80, v3, vm0, $0xb8;
	[tilespmem:$0x18400] =	vst v63  }
0x1ce: {  	_ =	swait.ge [sflag:s18], $0x6000  }
0x1cf: {  	[sflag:s18] =	ssyncset.done $0x0  }
0x1d0: {  	[sflag:s18] =	ssyncadd.s32 $0xFFFFA000  }
0x1d1: {  	v3 =	vld [tilespmem:$0x160];
	_ =	sdelay $0x4  }
0x1d2: {  	v22 =	vshrl.u32 v3, $0x3  }
0x1d3: {  	v4 =	vmul.u32 $0x30, v22  }
0x1d4: {  	v3 =	vand.u32 $0x7, v3  }
0x1d5: {  	v3 =	vor.u32 v3, v4  }
0x1d6: {  	v4 =	vperm.xlane v3, v0;
	_ =	sdelay $0x1  }
0x1d7: {  	v4 =	vadd.s32 v1, v4;
	_ =	sdelay $0x3  }
0x1d8: {  	s30 =	simm.s32 $0x12400;
	v3 =	vperm.xlane v3, v2  }
0x1d9: {  	[tilespmem:s30], [sflag:$0x4] =	stream.indirect_vreg.gather [hbm4b:s2+s3], $0x80, v4, vm0, $0xb8;
	[tilespmem:$0x18400] =	vst v63  }
0x1da: {  	v3 =	vadd.s32 v1, v3  }
0x1db: {  	[tilespmem:s16], [sflag:$0x4] =	stream.indirect_vreg.gather [hbm4b:s4+s3], $0x80, v4, vm0, $0xb8;
	[tilespmem:$0x18400] =	vst v63  }
0x1dc: {  	_ = 	snop  }
0x1dd: {  	[tilespmem:s15], [sflag:$0x4] =	stream.indirect_vreg.gather [hbm4b:s5+s3], $0x80, v4, vm0, $0xb8;
	[tilespmem:$0x18400] =	vst v63  }
0x1de: {  	_ = 	snop  }
0x1df: {  	[tilespmem:s19], [sflag:$0x4] =	stream.indirect_vreg.gather [hbm4b:s2+s3], $0x80, v3, vm0, $0xb8;
	[tilespmem:$0x18400] =	vst v63  }
0x1e0: {  	_ = 	snop  }
0x1e1: {  	[tilespmem:s17], [sflag:$0x4] =	stream.indirect_vreg.gather [hbm4b:s4+s3], $0x80, v3, vm0, $0xb8;
	[tilespmem:$0x18400] =	vst v63  }
0x1e2: {  	_ = 	snop  }
0x1e3: {  	[tilespmem:s23], [sflag:$0x4] =	stream.indirect_vreg.gather [hbm4b:s5+s3], $0x80, v3, vm0, $0xb8;
	[tilespmem:$0x18400] =	vst v63  }
0x1e4: {  	v3 =	vld [tilespmem:$0x170];
	_ =	sdelay $0x4  }
0x1e5: {  	v23 =	vshrl.u32 v3, $0x3  }
0x1e6: {  	v4 =	vmul.u32 $0x30, v23  }
0x1e7: {  	v3 =	vand.u32 $0x7, v3  }
0x1e8: {  	v3 =	vor.u32 v3, v4  }
0x1e9: {  	v4 =	vperm.xlane v3, v0;
	_ =	sdelay $0x1  }
0x1ea: {  	v4 =	vadd.s32 v1, v4;
	_ =	sdelay $0x3  }
0x1eb: {  	s6 =	simm.s32 $0x15400;
	v3 =	vperm.xlane v3, v2  }
0x1ec: {  	[tilespmem:s6], [sflag:$0x4] =	stream.indirect_vreg.gather [hbm4b:s2+s3], $0x80, v4, vm0, $0xb8;
	[tilespmem:$0x18400] =	vst v63  }
0x1ed: {  	v3 =	vadd.s32 v1, v3  }
0x1ee: {  	[tilespmem:s21], [sflag:$0x4] =	stream.indirect_vreg.gather [hbm4b:s4+s3], $0x80, v4, vm0, $0xb8;
	[tilespmem:$0x18400] =	vst v63  }
0x1ef: {  	_ = 	snop  }
0x1f0: {  	[tilespmem:s20], [sflag:$0x4] =	stream.indirect_vreg.gather [hbm4b:s5+s3], $0x80, v4, vm0, $0xb8;
	[tilespmem:$0x18400] =	vst v63  }
0x1f1: {  	s30 =	simm.s32 $0x16C00  }
0x1f2: {  	[tilespmem:s30], [sflag:$0x4] =	stream.indirect_vreg.gather [hbm4b:s2+s3], $0x80, v3, vm0, $0xb8;
	[tilespmem:$0x18400] =	vst v63  }
0x1f3: {  	_ = 	snop  }
0x1f4: {  	[tilespmem:s22], [sflag:$0x4] =	stream.indirect_vreg.gather [hbm4b:s4+s3], $0x80, v3, vm0, $0xb8;
	[tilespmem:$0x18400] =	vst v63  }
0x1f5: {  	s6 =	simm.s32 $0x17C00  }
0x1f6: {  	[tilespmem:s6], [sflag:$0x4] =	stream.indirect_vreg.gather [hbm4b:s5+s3], $0x80, v3, vm0, $0xb8;
	[tilespmem:$0x18400] =	vst v63  }
0x1f7: {  	_ =	swait.ge [sflag:s0], $0x6000  }
0x1f8: {  	[sflag:s0] =	ssyncset.done $0x0  }
0x1f9: {  	[sflag:s0] =	ssyncadd.s32 $0xFFFFA000  }
0x1fa: {  	v3 =	vld [tilespmem:$0x180];
	_ =	sdelay $0x4  }
0x1fb: {  	v24 =	vshrl.u32 v3, $0x3  }
0x1fc: {  	v4 =	vmul.u32 $0x30, v24  }
0x1fd: {  	v3 =	vand.u32 $0x7, v3  }
0x1fe: {  	v3 =	vor.u32 v3, v4  }
0x1ff: {  	v4 =	vperm.xlane v3, v0;
	_ =	sdelay $0x1  }
0x200: {  	v4 =	vadd.s32 v1, v4;
	_ =	sdelay $0x3  }
0x201: {  	s30 =	simm.s32 $0x400;
	v3 =	vperm.xlane v3, v2  }
0x202: {  	[tilespmem:s30], [sflag:$0x1] =	stream.indirect_vreg.gather [hbm4b:s2+s3], $0x80, v4, vm0, $0xb8;
	[tilespmem:$0x18400] =	vst v63  }
0x203: {  	v3 =	vadd.s32 v1, v3;
	s30 =	simm.s32 $0xC00  }
0x204: {  	[tilespmem:s30], [sflag:$0x1] =	stream.indirect_vreg.gather [hbm4b:s4+s3], $0x80, v4, vm0, $0xb8;
	[tilespmem:$0x18400] =	vst v63  }
0x205: {  	s30 =	simm.s32 $0x1400  }
0x206: {  	[tilespmem:s30], [sflag:$0x1] =	stream.indirect_vreg.gather [hbm4b:s5+s3], $0x80, v4, vm0, $0xb8;
	[tilespmem:$0x18400] =	vst v63  }
0x207: {  	s30 =	simm.s32 $0x1C00  }
0x208: {  	[tilespmem:s30], [sflag:$0x1] =	stream.indirect_vreg.gather [hbm4b:s2+s3], $0x80, v3, vm0, $0xb8;
	[tilespmem:$0x18400] =	vst v63  }
0x209: {  	s6 =	simm.s32 $0x2400  }
0x20a: {  	[tilespmem:s6], [sflag:$0x1] =	stream.indirect_vreg.gather [hbm4b:s4+s3], $0x80, v3, vm0, $0xb8;
	[tilespmem:$0x18400] =	vst v63  }
0x20b: {  	s6 =	simm.s32 $0x2C00  }
0x20c: {  	[tilespmem:s6], [sflag:$0x1] =	stream.indirect_vreg.gather [hbm4b:s5+s3], $0x80, v3, vm0, $0xb8;
	[tilespmem:$0x18400] =	vst v63  }
0x20d: {  	v3 =	vld [tilespmem:$0x190];
	_ =	sdelay $0x4  }
0x20e: {  	v25 =	vshrl.u32 v3, $0x3  }
0x20f: {  	v4 =	vmul.u32 $0x30, v25  }
0x210: {  	v3 =	vand.u32 $0x7, v3  }
0x211: {  	v3 =	vor.u32 v3, v4  }
0x212: {  	v4 =	vperm.xlane v3, v0;
	_ =	sdelay $0x1  }
0x213: {  	v4 =	vadd.s32 v1, v4;
	_ =	sdelay $0x3  }
0x214: {  	s6 =	simm.s32 $0x3400;
	v3 =	vperm.xlane v3, v2  }
0x215: {  	[tilespmem:s6], [sflag:$0x1] =	stream.indirect_vreg.gather [hbm4b:s2+s3], $0x80, v4, vm0, $0xb8;
	[tilespmem:$0x18400] =	vst v63  }
0x216: {  	v3 =	vadd.s32 v1, v3;
	s6 =	simm.s32 $0x3C00  }
0x217: {  	[tilespmem:s6], [sflag:$0x1] =	stream.indirect_vreg.gather [hbm4b:s4+s3], $0x80, v4, vm0, $0xb8;
	[tilespmem:$0x18400] =	vst v63  }
0x218: {  	s31 =	simm.s32 $0x4400  }
0x219: {  	[tilespmem:s31], [sflag:$0x1] =	stream.indirect_vreg.gather [hbm4b:s5+s3], $0x80, v4, vm0, $0xb8;
	[tilespmem:$0x18400] =	vst v63  }
0x21a: {  	s6 =	simm.s32 $0x4C00  }
0x21b: {  	[tilespmem:s6], [sflag:$0x1] =	stream.indirect_vreg.gather [hbm4b:s2+s3], $0x80, v3, vm0, $0xb8;
	[tilespmem:$0x18400] =	vst v63  }
0x21c: {  	s6 =	simm.s32 $0x5400  }
0x21d: {  	[tilespmem:s6], [sflag:$0x1] =	stream.indirect_vreg.gather [hbm4b:s4+s3], $0x80, v3, vm0, $0xb8;
	[tilespmem:$0x18400] =	vst v63  }
0x21e: {  	s31 =	simm.s32 $0x5C00  }
0x21f: {  	[tilespmem:s31], [sflag:$0x1] =	stream.indirect_vreg.gather [hbm4b:s5+s3], $0x80, v3, vm0, $0xb8;
	[tilespmem:$0x18400] =	vst v63  }
0x220: {  	_ =	swait.ge [sflag:s1], $0x6000  }
0x221: {  	[sflag:s1] =	ssyncset.done $0x0  }
0x222: {  	[sflag:s1] =	ssyncadd.s32 $0xFFFFA000  }
0x223: {  	v3 =	vld [tilespmem:$0x1A0];
	_ =	sdelay $0x4  }
0x224: {  	v26 =	vshrl.u32 v3, $0x3  }
0x225: {  	v4 =	vmul.u32 $0x30, v26  }
0x226: {  	v3 =	vand.u32 $0x7, v3  }
0x227: {  	v3 =	vor.u32 v3, v4  }
0x228: {  	v4 =	vperm.xlane v3, v0;
	_ =	sdelay $0x1  }
0x229: {  	v4 =	vadd.s32 v1, v4;
	_ =	sdelay $0x3  }
0x22a: {  	s31 =	simm.s32 $0x6400;
	v3 =	vperm.xlane v3, v2  }
0x22b: {  	[tilespmem:s31], [sflag:$0x2] =	stream.indirect_vreg.gather [hbm4b:s2+s3], $0x80, v4, vm0, $0xb8;
	[tilespmem:$0x18400] =	vst v63  }
0x22c: {  	v3 =	vadd.s32 v1, v3;
	s31 =	simm.s32 $0x6C00  }
0x22d: {  	[tilespmem:s31], [sflag:$0x2] =	stream.indirect_vreg.gather [hbm4b:s4+s3], $0x80, v4, vm0, $0xb8;
	[tilespmem:$0x18400] =	vst v63  }
0x22e: {  	s31 =	simm.s32 $0x7400  }
0x22f: {  	[tilespmem:s31], [sflag:$0x2] =	stream.indirect_vreg.gather [hbm4b:s5+s3], $0x80, v4, vm0, $0xb8;
	[tilespmem:$0x18400] =	vst v63  }
0x230: {  	s31 =	simm.s32 $0x7C00  }
0x231: {  	[tilespmem:s31], [sflag:$0x2] =	stream.indirect_vreg.gather [hbm4b:s2+s3], $0x80, v3, vm0, $0xb8;
	[tilespmem:$0x18400] =	vst v63  }
0x232: {  	s31 =	simm.s32 $0x8400  }
0x233: {  	[tilespmem:s31], [sflag:$0x2] =	stream.indirect_vreg.gather [hbm4b:s4+s3], $0x80, v3, vm0, $0xb8;
	[tilespmem:$0x18400] =	vst v63  }
0x234: {  	s24 =	simm.s32 $0x8C00  }
0x235: {  	[tilespmem:s24], [sflag:$0x2] =	stream.indirect_vreg.gather [hbm4b:s5+s3], $0x80, v3, vm0, $0xb8;
	[tilespmem:$0x18400] =	vst v63  }
0x236: {  	v3 =	vld [tilespmem:$0x1B0];
	_ =	sdelay $0x4  }
0x237: {  	v27 =	vshrl.u32 v3, $0x3  }
0x238: {  	v4 =	vmul.u32 $0x30, v27  }
0x239: {  	v3 =	vand.u32 $0x7, v3  }
0x23a: {  	v3 =	vor.u32 v3, v4  }
0x23b: {  	v4 =	vperm.xlane v3, v0;
	_ =	sdelay $0x1  }
0x23c: {  	v4 =	vadd.s32 v1, v4;
	_ =	sdelay $0x3  }
0x23d: {  	s28 =	simm.s32 $0x9400;
	v3 =	vperm.xlane v3, v2  }
0x23e: {  	[tilespmem:s28], [sflag:$0x2] =	stream.indirect_vreg.gather [hbm4b:s2+s3], $0x80, v4, vm0, $0xb8;
	[tilespmem:$0x18400] =	vst v63  }
0x23f: {  	s24 =	simm.s32 $0x9C00;
	v3 =	vadd.s32 v1, v3  }
0x240: {  	[tilespmem:s24], [sflag:$0x2] =	stream.indirect_vreg.gather [hbm4b:s4+s3], $0x80, v4, vm0, $0xb8;
	[tilespmem:$0x18400] =	vst v63  }
0x241: {  	s24 =	simm.s32 $0xA400  }
0x242: {  	[tilespmem:s24], [sflag:$0x2] =	stream.indirect_vreg.gather [hbm4b:s5+s3], $0x80, v4, vm0, $0xb8;
	[tilespmem:$0x18400] =	vst v63  }
0x243: {  	s24 =	simm.s32 $0xAC00  }
0x244: {  	[tilespmem:s24], [sflag:$0x2] =	stream.indirect_vreg.gather [hbm4b:s2+s3], $0x80, v3, vm0, $0xb8;
	[tilespmem:$0x18400] =	vst v63  }
0x245: {  	s25 =	simm.s32 $0xB400  }
0x246: {  	[tilespmem:s25], [sflag:$0x2] =	stream.indirect_vreg.gather [hbm4b:s4+s3], $0x80, v3, vm0, $0xb8;
	[tilespmem:$0x18400] =	vst v63  }
0x247: {  	s26 =	simm.s32 $0xBC00  }
0x248: {  	[tilespmem:s26], [sflag:$0x2] =	stream.indirect_vreg.gather [hbm4b:s5+s3], $0x80, v3, vm0, $0xb8;
	[tilespmem:$0x18400] =	vst v63  }
0x249: {  	_ =	swait.ge [sflag:s7], $0x6000  }
0x24a: {  	[sflag:s7] =	ssyncset.done $0x0  }
0x24b: {  	[sflag:s7] =	ssyncadd.s32 $0xFFFFA000  }
0x24c: {  	v3 =	vld [tilespmem:$0x1C0];
	_ =	sdelay $0x4  }
0x24d: {  	v28 =	vshrl.u32 v3, $0x3  }
0x24e: {  	v4 =	vmul.u32 $0x30, v28  }
0x24f: {  	v3 =	vand.u32 $0x7, v3  }
0x250: {  	v3 =	vor.u32 v3, v4  }
0x251: {  	v4 =	vperm.xlane v3, v0;
	_ =	sdelay $0x1  }
0x252: {  	v4 =	vadd.s32 v1, v4;
	_ =	sdelay $0x3  }
0x253: {  	s24 =	simm.s32 $0xC400;
	v3 =	vperm.xlane v3, v2  }
0x254: {  	[tilespmem:s24], [sflag:$0x3] =	stream.indirect_vreg.gather [hbm4b:s2+s3], $0x80, v4, vm0, $0xb8;
	[tilespmem:$0x18400] =	vst v63  }
0x255: {  	s8 =	simm.s32 $0xCC00;
	v3 =	vadd.s32 v1, v3  }
0x256: {  	[tilespmem:s8], [sflag:$0x3] =	stream.indirect_vreg.gather [hbm4b:s4+s3], $0x80, v4, vm0, $0xb8;
	[tilespmem:$0x18400] =	vst v63  }
0x257: {  	s24 =	simm.s32 $0xD400  }
0x258: {  	[tilespmem:s24], [sflag:$0x3] =	stream.indirect_vreg.gather [hbm4b:s5+s3], $0x80, v4, vm0, $0xb8;
	[tilespmem:$0x18400] =	vst v63  }
0x259: {  	s10 =	simm.s32 $0xDC00  }
0x25a: {  	[tilespmem:s10], [sflag:$0x3] =	stream.indirect_vreg.gather [hbm4b:s2+s3], $0x80, v3, vm0, $0xb8;
	[tilespmem:$0x18400] =	vst v63  }
0x25b: {  	s9 =	simm.s32 $0xE400  }
0x25c: {  	[tilespmem:s9], [sflag:$0x3] =	stream.indirect_vreg.gather [hbm4b:s4+s3], $0x80, v3, vm0, $0xb8;
	[tilespmem:$0x18400] =	vst v63  }
0x25d: {  	s6 =	simm.s32 $0xEC00  }
0x25e: {  	[tilespmem:s6], [sflag:$0x3] =	stream.indirect_vreg.gather [hbm4b:s5+s3], $0x80, v3, vm0, $0xb8;
	[tilespmem:$0x18400] =	vst v63  }
0x25f: {  	v3 =	vld [tilespmem:$0x1D0];
	_ =	sdelay $0x4  }
0x260: {  	v29 =	vshrl.u32 v3, $0x3  }
0x261: {  	v4 =	vmul.u32 $0x30, v29  }
0x262: {  	v3 =	vand.u32 $0x7, v3  }
0x263: {  	v3 =	vor.u32 v3, v4  }
0x264: {  	v4 =	vperm.xlane v3, v0;
	_ =	sdelay $0x1  }
0x265: {  	v4 =	vadd.s32 v1, v4;
	_ =	sdelay $0x3  }
0x266: {  	s6 =	simm.s32 $0xF400;
	v3 =	vperm.xlane v3, v2  }
0x267: {  	[tilespmem:s6], [sflag:$0x3] =	stream.indirect_vreg.gather [hbm4b:s2+s3], $0x80, v4, vm0, $0xb8;
	[tilespmem:$0x18400] =	vst v63  }
0x268: {  	s12 =	simm.s32 $0xFC00;
	v3 =	vadd.s32 v1, v3  }
0x269: {  	[tilespmem:s12], [sflag:$0x3] =	stream.indirect_vreg.gather [hbm4b:s4+s3], $0x80, v4, vm0, $0xb8;
	[tilespmem:$0x18400] =	vst v63  }
0x26a: {  	s11 =	simm.s32 $0x10400  }
0x26b: {  	[tilespmem:s11], [sflag:$0x3] =	stream.indirect_vreg.gather [hbm4b:s5+s3], $0x80, v4, vm0, $0xb8;
	[tilespmem:$0x18400] =	vst v63  }
0x26c: {  	s14 =	simm.s32 $0x10C00  }
0x26d: {  	[tilespmem:s14], [sflag:$0x3] =	stream.indirect_vreg.gather [hbm4b:s2+s3], $0x80, v3, vm0, $0xb8;
	[tilespmem:$0x18400] =	vst v63  }
0x26e: {  	s13 =	simm.s32 $0x11400  }
0x26f: {  	[tilespmem:s13], [sflag:$0x3] =	stream.indirect_vreg.gather [hbm4b:s4+s3], $0x80, v3, vm0, $0xb8;
	[tilespmem:$0x18400] =	vst v63  }
0x270: {  	s6 =	simm.s32 $0x11C00  }
0x271: {  	[tilespmem:s6], [sflag:$0x3] =	stream.indirect_vreg.gather [hbm4b:s5+s3], $0x80, v3, vm0, $0xb8;
	[tilespmem:$0x18400] =	vst v63  }
0x272: {  	_ =	swait.ge [sflag:s18], $0x6000  }
0x273: {  	[sflag:s18] =	ssyncset.done $0x0  }
0x274: {  	[sflag:s18] =	ssyncadd.s32 $0xFFFFA000  }
0x275: {  	v3 =	vld [tilespmem:$0x1E0];
	_ =	sdelay $0x4  }
0x276: {  	v30 =	vshrl.u32 v3, $0x3  }
0x277: {  	v4 =	vmul.u32 $0x30, v30  }
0x278: {  	v3 =	vand.u32 $0x7, v3  }
0x279: {  	v3 =	vor.u32 v3, v4  }
0x27a: {  	v4 =	vperm.xlane v3, v0;
	_ =	sdelay $0x1  }
0x27b: {  	v4 =	vadd.s32 v1, v4;
	_ =	sdelay $0x3  }
0x27c: {  	s6 =	simm.s32 $0x12400;
	v3 =	vperm.xlane v3, v2  }
0x27d: {  	[tilespmem:s6], [sflag:$0x4] =	stream.indirect_vreg.gather [hbm4b:s2+s3], $0x80, v4, vm0, $0xb8;
	[tilespmem:$0x18400] =	vst v63  }
0x27e: {  	s16 =	simm.s32 $0x12C00;
	v3 =	vadd.s32 v1, v3  }
0x27f: {  	[tilespmem:s16], [sflag:$0x4] =	stream.indirect_vreg.gather [hbm4b:s4+s3], $0x80, v4, vm0, $0xb8;
	[tilespmem:$0x18400] =	vst v63  }
0x280: {  	s15 =	simm.s32 $0x13400  }
0x281: {  	[tilespmem:s15], [sflag:$0x4] =	stream.indirect_vreg.gather [hbm4b:s5+s3], $0x80, v4, vm0, $0xb8;
	[tilespmem:$0x18400] =	vst v63  }
0x282: {  	s19 =	simm.s32 $0x13C00  }
0x283: {  	[tilespmem:s19], [sflag:$0x4] =	stream.indirect_vreg.gather [hbm4b:s2+s3], $0x80, v3, vm0, $0xb8;
	[tilespmem:$0x18400] =	vst v63  }
0x284: {  	s17 =	simm.s32 $0x14400  }
0x285: {  	[tilespmem:s17], [sflag:$0x4] =	stream.indirect_vreg.gather [hbm4b:s4+s3], $0x80, v3, vm0, $0xb8;
	[tilespmem:$0x18400] =	vst v63  }
0x286: {  	s23 =	simm.s32 $0x14C00  }
0x287: {  	[tilespmem:s23], [sflag:$0x4] =	stream.indirect_vreg.gather [hbm4b:s5+s3], $0x80, v3, vm0, $0xb8;
	[tilespmem:$0x18400] =	vst v63  }
0x288: {  	v3 =	vld [tilespmem:$0x1F0];
	_ =	sdelay $0x4  }
0x289: {  	v31 =	vshrl.u32 v3, $0x3  }
0x28a: {  	v4 =	vmul.u32 $0x30, v31  }
0x28b: {  	v3 =	vand.u32 $0x7, v3  }
0x28c: {  	v3 =	vor.u32 v3, v4  }
0x28d: {  	v4 =	vperm.xlane v3, v0;
	_ =	sdelay $0x1  }
0x28e: {  	v4 =	vadd.s32 v1, v4;
	_ =	sdelay $0x3  }
0x28f: {  	s6 =	simm.s32 $0x15400;
	v3 =	vperm.xlane v3, v2  }
0x290: {  	[tilespmem:s6], [sflag:$0x4] =	stream.indirect_vreg.gather [hbm4b:s2+s3], $0x80, v4, vm0, $0xb8;
	[tilespmem:$0x18400] =	vst v63  }
0x291: {  	s21 =	simm.s32 $0x15C00;
	v3 =	vadd.s32 v1, v3  }
0x292: {  	[tilespmem:s21], [sflag:$0x4] =	stream.indirect_vreg.gather [hbm4b:s4+s3], $0x80, v4, vm0, $0xb8;
	[tilespmem:$0x18400] =	vst v63  }
0x293: {  	s20 =	simm.s32 $0x16400  }
0x294: {  	[tilespmem:s20], [sflag:$0x4] =	stream.indirect_vreg.gather [hbm4b:s5+s3], $0x80, v4, vm0, $0xb8;
	[tilespmem:$0x18400] =	vst v63  }
0x295: {  	s29 =	simm.s32 $0x16C00  }
0x296: {  	[tilespmem:s29], [sflag:$0x4] =	stream.indirect_vreg.gather [hbm4b:s2+s3], $0x80, v3, vm0, $0xb8;
	[tilespmem:$0x18400] =	vst v63  }
0x297: {  	s22 =	simm.s32 $0x17400  }
0x298: {  	[tilespmem:s22], [sflag:$0x4] =	stream.indirect_vreg.gather [hbm4b:s4+s3], $0x80, v3, vm0, $0xb8;
	[tilespmem:$0x18400] =	vst v63  }
0x299: {  	s6 =	simm.s32 $0x17C00  }
0x29a: {  	[tilespmem:s6], [sflag:$0x4] =	stream.indirect_vreg.gather [hbm4b:s5+s3], $0x80, v3, vm0, $0xb8;
	[tilespmem:$0x18400] =	vst v63  }
0x29b: {  	_ =	swait.ge [sflag:s0], $0x6000  }
0x29c: {  	[sflag:s0] =	ssyncset.done $0x0  }
0x29d: {  	[sflag:s0] =	ssyncadd.s32 $0xFFFFA000  }
0x29e: {  	v3 =	vld [tilespmem:$0x200];
	_ =	sdelay $0x4  }
0x29f: {  	v32 =	vshrl.u32 v3, $0x3  }
0x2a0: {  	v4 =	vmul.u32 $0x30, v32  }
0x2a1: {  	v3 =	vand.u32 $0x7, v3  }
0x2a2: {  	v3 =	vor.u32 v3, v4  }
0x2a3: {  	v4 =	vperm.xlane v3, v0;
	_ =	sdelay $0x1  }
0x2a4: {  	v4 =	vadd.s32 v1, v4;
	_ =	sdelay $0x3  }
0x2a5: {  	s6 =	simm.s32 $0x400;
	v3 =	vperm.xlane v3, v2  }
0x2a6: {  	[tilespmem:s6], [sflag:$0x1] =	stream.indirect_vreg.gather [hbm4b:s2+s3], $0x80, v4, vm0, $0xb8;
	[tilespmem:$0x18400] =	vst v63  }
0x2a7: {  	v3 =	vadd.s32 v1, v3;
	s6 =	simm.s32 $0xC00  }
0x2a8: {  	[tilespmem:s6], [sflag:$0x1] =	stream.indirect_vreg.gather [hbm4b:s4+s3], $0x80, v4, vm0, $0xb8;
	[tilespmem:$0x18400] =	vst v63  }
0x2a9: {  	s6 =	simm.s32 $0x1400  }
0x2aa: {  	[tilespmem:s6], [sflag:$0x1] =	stream.indirect_vreg.gather [hbm4b:s5+s3], $0x80, v4, vm0, $0xb8;
	[tilespmem:$0x18400] =	vst v63  }
0x2ab: {  	s6 =	simm.s32 $0x1C00  }
0x2ac: {  	[tilespmem:s6], [sflag:$0x1] =	stream.indirect_vreg.gather [hbm4b:s2+s3], $0x80, v3, vm0, $0xb8;
	[tilespmem:$0x18400] =	vst v63  }
0x2ad: {  	s30 =	simm.s32 $0x2400  }
0x2ae: {  	[tilespmem:s30], [sflag:$0x1] =	stream.indirect_vreg.gather [hbm4b:s4+s3], $0x80, v3, vm0, $0xb8;
	[tilespmem:$0x18400] =	vst v63  }
0x2af: {  	s6 =	simm.s32 $0x2C00  }
0x2b0: {  	[tilespmem:s6], [sflag:$0x1] =	stream.indirect_vreg.gather [hbm4b:s5+s3], $0x80, v3, vm0, $0xb8;
	[tilespmem:$0x18400] =	vst v63  }
0x2b1: {  	v3 =	vld [tilespmem:$0x210];
	_ =	sdelay $0x4  }
0x2b2: {  	v33 =	vshrl.u32 v3, $0x3  }
0x2b3: {  	v4 =	vmul.u32 $0x30, v33  }
0x2b4: {  	v3 =	vand.u32 $0x7, v3  }
0x2b5: {  	v3 =	vor.u32 v3, v4  }
0x2b6: {  	v4 =	vperm.xlane v3, v0;
	_ =	sdelay $0x1  }
0x2b7: {  	v4 =	vadd.s32 v1, v4;
	_ =	sdelay $0x3  }
0x2b8: {  	s6 =	simm.s32 $0x3400;
	v3 =	vperm.xlane v3, v2  }
0x2b9: {  	[tilespmem:s6], [sflag:$0x1] =	stream.indirect_vreg.gather [hbm4b:s2+s3], $0x80, v4, vm0, $0xb8;
	[tilespmem:$0x18400] =	vst v63  }
0x2ba: {  	v3 =	vadd.s32 v1, v3;
	s6 =	simm.s32 $0x3C00  }
0x2bb: {  	[tilespmem:s6], [sflag:$0x1] =	stream.indirect_vreg.gather [hbm4b:s4+s3], $0x80, v4, vm0, $0xb8;
	[tilespmem:$0x18400] =	vst v63  }
0x2bc: {  	s6 =	simm.s32 $0x4400  }
0x2bd: {  	[tilespmem:s6], [sflag:$0x1] =	stream.indirect_vreg.gather [hbm4b:s5+s3], $0x80, v4, vm0, $0xb8;
	[tilespmem:$0x18400] =	vst v63  }
0x2be: {  	s6 =	simm.s32 $0x4C00  }
0x2bf: {  	[tilespmem:s6], [sflag:$0x1] =	stream.indirect_vreg.gather [hbm4b:s2+s3], $0x80, v3, vm0, $0xb8;
	[tilespmem:$0x18400] =	vst v63  }
0x2c0: {  	s6 =	simm.s32 $0x5400  }
0x2c1: {  	[tilespmem:s6], [sflag:$0x1] =	stream.indirect_vreg.gather [hbm4b:s4+s3], $0x80, v3, vm0, $0xb8;
	[tilespmem:$0x18400] =	vst v63  }
0x2c2: {  	s6 =	simm.s32 $0x5C00  }
0x2c3: {  	[tilespmem:s6], [sflag:$0x1] =	stream.indirect_vreg.gather [hbm4b:s5+s3], $0x80, v3, vm0, $0xb8;
	[tilespmem:$0x18400] =	vst v63  }
0x2c4: {  	_ =	swait.ge [sflag:s1], $0x6000  }
0x2c5: {  	[sflag:s1] =	ssyncset.done $0x0  }
0x2c6: {  	[sflag:s1] =	ssyncadd.s32 $0xFFFFA000  }
0x2c7: {  	v3 =	vld [tilespmem:$0x220];
	_ =	sdelay $0x4  }
0x2c8: {  	v34 =	vshrl.u32 v3, $0x3  }
0x2c9: {  	v4 =	vmul.u32 $0x30, v34  }
0x2ca: {  	v3 =	vand.u32 $0x7, v3  }
0x2cb: {  	v3 =	vor.u32 v3, v4  }
0x2cc: {  	v4 =	vperm.xlane v3, v0;
	_ =	sdelay $0x1  }
0x2cd: {  	v4 =	vadd.s32 v1, v4;
	_ =	sdelay $0x3  }
0x2ce: {  	s6 =	simm.s32 $0x6400;
	v3 =	vperm.xlane v3, v2  }
0x2cf: {  	[tilespmem:s6], [sflag:$0x2] =	stream.indirect_vreg.gather [hbm4b:s2+s3], $0x80, v4, vm0, $0xb8;
	[tilespmem:$0x18400] =	vst v63  }
0x2d0: {  	v3 =	vadd.s32 v1, v3;
	s6 =	simm.s32 $0x6C00  }
0x2d1: {  	[tilespmem:s6], [sflag:$0x2] =	stream.indirect_vreg.gather [hbm4b:s4+s3], $0x80, v4, vm0, $0xb8;
	[tilespmem:$0x18400] =	vst v63  }
0x2d2: {  	s6 =	simm.s32 $0x7400  }
0x2d3: {  	[tilespmem:s6], [sflag:$0x2] =	stream.indirect_vreg.gather [hbm4b:s5+s3], $0x80, v4, vm0, $0xb8;
	[tilespmem:$0x18400] =	vst v63  }
0x2d4: {  	s6 =	simm.s32 $0x7C00  }
0x2d5: {  	[tilespmem:s6], [sflag:$0x2] =	stream.indirect_vreg.gather [hbm4b:s2+s3], $0x80, v3, vm0, $0xb8;
	[tilespmem:$0x18400] =	vst v63  }
0x2d6: {  	s6 =	simm.s32 $0x8400  }
0x2d7: {  	[tilespmem:s6], [sflag:$0x2] =	stream.indirect_vreg.gather [hbm4b:s4+s3], $0x80, v3, vm0, $0xb8;
	[tilespmem:$0x18400] =	vst v63  }
0x2d8: {  	s31 =	simm.s32 $0x8C00  }
0x2d9: {  	[tilespmem:s31], [sflag:$0x2] =	stream.indirect_vreg.gather [hbm4b:s5+s3], $0x80, v3, vm0, $0xb8;
	[tilespmem:$0x18400] =	vst v63  }
0x2da: {  	v3 =	vld [tilespmem:$0x230];
	_ =	sdelay $0x4  }
0x2db: {  	v35 =	vshrl.u32 v3, $0x3  }
0x2dc: {  	v4 =	vmul.u32 $0x30, v35  }
0x2dd: {  	v3 =	vand.u32 $0x7, v3  }
0x2de: {  	v3 =	vor.u32 v3, v4  }
0x2df: {  	v4 =	vperm.xlane v3, v0;
	_ =	sdelay $0x1  }
0x2e0: {  	v4 =	vadd.s32 v1, v4;
	_ =	sdelay $0x3  }
0x2e1: {  	s28 =	simm.s32 $0x9400;
	v3 =	vperm.xlane v3, v2  }
0x2e2: {  	[tilespmem:s28], [sflag:$0x2] =	stream.indirect_vreg.gather [hbm4b:s2+s3], $0x80, v4, vm0, $0xb8;
	[tilespmem:$0x18400] =	vst v63  }
0x2e3: {  	v3 =	vadd.s32 v1, v3;
	s28 =	simm.s32 $0x9C00  }
0x2e4: {  	[tilespmem:s28], [sflag:$0x2] =	stream.indirect_vreg.gather [hbm4b:s4+s3], $0x80, v4, vm0, $0xb8;
	[tilespmem:$0x18400] =	vst v63  }
0x2e5: {  	s28 =	simm.s32 $0xA400  }
0x2e6: {  	[tilespmem:s28], [sflag:$0x2] =	stream.indirect_vreg.gather [hbm4b:s5+s3], $0x80, v4, vm0, $0xb8;
	[tilespmem:$0x18400] =	vst v63  }
0x2e7: {  	s28 =	simm.s32 $0xAC00  }
0x2e8: {  	[tilespmem:s28], [sflag:$0x2] =	stream.indirect_vreg.gather [hbm4b:s2+s3], $0x80, v3, vm0, $0xb8;
	[tilespmem:$0x18400] =	vst v63  }
0x2e9: {  	s25 =	simm.s32 $0xB400  }
0x2ea: {  	[tilespmem:s25], [sflag:$0x2] =	stream.indirect_vreg.gather [hbm4b:s4+s3], $0x80, v3, vm0, $0xb8;
	[tilespmem:$0x18400] =	vst v63  }
0x2eb: {  	s26 =	simm.s32 $0xBC00  }
0x2ec: {  	[tilespmem:s26], [sflag:$0x2] =	stream.indirect_vreg.gather [hbm4b:s5+s3], $0x80, v3, vm0, $0xb8;
	[tilespmem:$0x18400] =	vst v63  }
0x2ed: {  	_ =	swait.ge [sflag:s7], $0x6000  }
0x2ee: {  	[sflag:s7] =	ssyncset.done $0x0  }
0x2ef: {  	[sflag:s7] =	ssyncadd.s32 $0xFFFFA000  }
0x2f0: {  	v3 =	vld [tilespmem:$0x240];
	_ =	sdelay $0x4  }
0x2f1: {  	v36 =	vshrl.u32 v3, $0x3  }
0x2f2: {  	v4 =	vmul.u32 $0x30, v36  }
0x2f3: {  	v3 =	vand.u32 $0x7, v3  }
0x2f4: {  	v3 =	vor.u32 v3, v4  }
0x2f5: {  	v4 =	vperm.xlane v3, v0;
	_ =	sdelay $0x1  }
0x2f6: {  	v4 =	vadd.s32 v1, v4;
	_ =	sdelay $0x3  }
0x2f7: {  	s25 =	simm.s32 $0xC400;
	v3 =	vperm.xlane v3, v2  }
0x2f8: {  	[tilespmem:s25], [sflag:$0x3] =	stream.indirect_vreg.gather [hbm4b:s2+s3], $0x80, v4, vm0, $0xb8;
	[tilespmem:$0x18400] =	vst v63  }
0x2f9: {  	s8 =	simm.s32 $0xCC00;
	v3 =	vadd.s32 v1, v3  }
0x2fa: {  	[tilespmem:s8], [sflag:$0x3] =	stream.indirect_vreg.gather [hbm4b:s4+s3], $0x80, v4, vm0, $0xb8;
	[tilespmem:$0x18400] =	vst v63  }
0x2fb: {  	s8 =	simm.s32 $0xD400  }
0x2fc: {  	[tilespmem:s8], [sflag:$0x3] =	stream.indirect_vreg.gather [hbm4b:s5+s3], $0x80, v4, vm0, $0xb8;
	[tilespmem:$0x18400] =	vst v63  }
0x2fd: {  	s10 =	simm.s32 $0xDC00  }
0x2fe: {  	[tilespmem:s10], [sflag:$0x3] =	stream.indirect_vreg.gather [hbm4b:s2+s3], $0x80, v3, vm0, $0xb8;
	[tilespmem:$0x18400] =	vst v63  }
0x2ff: {  	s9 =	simm.s32 $0xE400  }
0x300: {  	[tilespmem:s9], [sflag:$0x3] =	stream.indirect_vreg.gather [hbm4b:s4+s3], $0x80, v3, vm0, $0xb8;
	[tilespmem:$0x18400] =	vst v63  }
0x301: {  	s9 =	simm.s32 $0xEC00  }
0x302: {  	[tilespmem:s9], [sflag:$0x3] =	stream.indirect_vreg.gather [hbm4b:s5+s3], $0x80, v3, vm0, $0xb8;
	[tilespmem:$0x18400] =	vst v63  }
0x303: {  	v3 =	vld [tilespmem:$0x250];
	_ =	sdelay $0x4  }
0x304: {  	v37 =	vshrl.u32 v3, $0x3  }
0x305: {  	v4 =	vmul.u32 $0x30, v37  }
0x306: {  	v3 =	vand.u32 $0x7, v3  }
0x307: {  	v3 =	vor.u32 v3, v4  }
0x308: {  	v4 =	vperm.xlane v3, v0;
	_ =	sdelay $0x1  }
0x309: {  	v4 =	vadd.s32 v1, v4;
	_ =	sdelay $0x3  }
0x30a: {  	s9 =	simm.s32 $0xF400;
	v3 =	vperm.xlane v3, v2  }
0x30b: {  	[tilespmem:s9], [sflag:$0x3] =	stream.indirect_vreg.gather [hbm4b:s2+s3], $0x80, v4, vm0, $0xb8;
	[tilespmem:$0x18400] =	vst v63  }
0x30c: {  	s12 =	simm.s32 $0xFC00;
	v3 =	vadd.s32 v1, v3  }
0x30d: {  	[tilespmem:s12], [sflag:$0x3] =	stream.indirect_vreg.gather [hbm4b:s4+s3], $0x80, v4, vm0, $0xb8;
	[tilespmem:$0x18400] =	vst v63  }
0x30e: {  	s11 =	simm.s32 $0x10400  }
0x30f: {  	[tilespmem:s11], [sflag:$0x3] =	stream.indirect_vreg.gather [hbm4b:s5+s3], $0x80, v4, vm0, $0xb8;
	[tilespmem:$0x18400] =	vst v63  }
0x310: {  	s14 =	simm.s32 $0x10C00  }
0x311: {  	[tilespmem:s14], [sflag:$0x3] =	stream.indirect_vreg.gather [hbm4b:s2+s3], $0x80, v3, vm0, $0xb8;
	[tilespmem:$0x18400] =	vst v63  }
0x312: {  	s13 =	simm.s32 $0x11400  }
0x313: {  	[tilespmem:s13], [sflag:$0x3] =	stream.indirect_vreg.gather [hbm4b:s4+s3], $0x80, v3, vm0, $0xb8;
	[tilespmem:$0x18400] =	vst v63  }
0x314: {  	s13 =	simm.s32 $0x11C00  }
0x315: {  	[tilespmem:s13], [sflag:$0x3] =	stream.indirect_vreg.gather [hbm4b:s5+s3], $0x80, v3, vm0, $0xb8;
	[tilespmem:$0x18400] =	vst v63  }
0x316: {  	_ =	swait.ge [sflag:s18], $0x6000  }
0x317: {  	[sflag:s18] =	ssyncset.done $0x0  }
0x318: {  	[sflag:s18] =	ssyncadd.s32 $0xFFFFA000  }
0x319: {  	v3 =	vld [tilespmem:$0x260];
	_ =	sdelay $0x4  }
0x31a: {  	v38 =	vshrl.u32 v3, $0x3  }
0x31b: {  	v4 =	vmul.u32 $0x30, v38  }
0x31c: {  	v3 =	vand.u32 $0x7, v3  }
0x31d: {  	v3 =	vor.u32 v3, v4  }
0x31e: {  	v4 =	vperm.xlane v3, v0;
	_ =	sdelay $0x1  }
0x31f: {  	v4 =	vadd.s32 v1, v4;
	_ =	sdelay $0x3  }
0x320: {  	s13 =	simm.s32 $0x12400;
	v3 =	vperm.xlane v3, v2  }
0x321: {  	[tilespmem:s13], [sflag:$0x4] =	stream.indirect_vreg.gather [hbm4b:s2+s3], $0x80, v4, vm0, $0xb8;
	[tilespmem:$0x18400] =	vst v63  }
0x322: {  	s16 =	simm.s32 $0x12C00;
	v3 =	vadd.s32 v1, v3  }
0x323: {  	[tilespmem:s16], [sflag:$0x4] =	stream.indirect_vreg.gather [hbm4b:s4+s3], $0x80, v4, vm0, $0xb8;
	[tilespmem:$0x18400] =	vst v63  }
0x324: {  	s15 =	simm.s32 $0x13400  }
0x325: {  	[tilespmem:s15], [sflag:$0x4] =	stream.indirect_vreg.gather [hbm4b:s5+s3], $0x80, v4, vm0, $0xb8;
	[tilespmem:$0x18400] =	vst v63  }
0x326: {  	s19 =	simm.s32 $0x13C00  }
0x327: {  	[tilespmem:s19], [sflag:$0x4] =	stream.indirect_vreg.gather [hbm4b:s2+s3], $0x80, v3, vm0, $0xb8;
	[tilespmem:$0x18400] =	vst v63  }
0x328: {  	s17 =	simm.s32 $0x14400  }
0x329: {  	[tilespmem:s17], [sflag:$0x4] =	stream.indirect_vreg.gather [hbm4b:s4+s3], $0x80, v3, vm0, $0xb8;
	[tilespmem:$0x18400] =	vst v63  }
0x32a: {  	s24 =	simm.s32 $0x14C00  }
0x32b: {  	[tilespmem:s24], [sflag:$0x4] =	stream.indirect_vreg.gather [hbm4b:s5+s3], $0x80, v3, vm0, $0xb8;
	[tilespmem:$0x18400] =	vst v63  }
0x32c: {  	v3 =	vld [tilespmem:$0x270];
	_ =	sdelay $0x4  }
0x32d: {  	v39 =	vshrl.u32 v3, $0x3  }
0x32e: {  	v4 =	vmul.u32 $0x30, v39  }
0x32f: {  	v3 =	vand.u32 $0x7, v3  }
0x330: {  	v3 =	vor.u32 v3, v4  }
0x331: {  	v4 =	vperm.xlane v3, v0;
	_ =	sdelay $0x1  }
0x332: {  	v4 =	vadd.s32 v1, v4;
	_ =	sdelay $0x3  }
0x333: {  	s17 =	simm.s32 $0x15400;
	v3 =	vperm.xlane v3, v2  }
0x334: {  	[tilespmem:s17], [sflag:$0x4] =	stream.indirect_vreg.gather [hbm4b:s2+s3], $0x80, v4, vm0, $0xb8;
	[tilespmem:$0x18400] =	vst v63  }
0x335: {  	s21 =	simm.s32 $0x15C00;
	v3 =	vadd.s32 v1, v3  }
0x336: {  	[tilespmem:s21], [sflag:$0x4] =	stream.indirect_vreg.gather [hbm4b:s4+s3], $0x80, v4, vm0, $0xb8;
	[tilespmem:$0x18400] =	vst v63  }
0x337: {  	s20 =	simm.s32 $0x16400  }
0x338: {  	[tilespmem:s20], [sflag:$0x4] =	stream.indirect_vreg.gather [hbm4b:s5+s3], $0x80, v4, vm0, $0xb8;
	[tilespmem:$0x18400] =	vst v63  }
0x339: {  	s23 =	simm.s32 $0x16C00  }
0x33a: {  	[tilespmem:s23], [sflag:$0x4] =	stream.indirect_vreg.gather [hbm4b:s2+s3], $0x80, v3, vm0, $0xb8;
	[tilespmem:$0x18400] =	vst v63  }
0x33b: {  	s22 =	simm.s32 $0x17400  }
0x33c: {  	[tilespmem:s22], [sflag:$0x4] =	stream.indirect_vreg.gather [hbm4b:s4+s3], $0x80, v3, vm0, $0xb8;
	[tilespmem:$0x18400] =	vst v63  }
0x33d: {  	s29 =	simm.s32 $0x17C00  }
0x33e: {  	[tilespmem:s29], [sflag:$0x4] =	stream.indirect_vreg.gather [hbm4b:s5+s3], $0x80, v3, vm0, $0xb8;
	[tilespmem:$0x18400] =	vst v63  }
0x33f: {  	_ =	swait.ge [sflag:s0], $0x6000  }
0x340: {  	[sflag:s0] =	ssyncset.done $0x0  }
0x341: {  	[sflag:s0] =	ssyncadd.s32 $0xFFFFA000  }
0x342: {  	v3 =	vld [tilespmem:$0x280];
	_ =	sdelay $0x4  }
0x343: {  	v40 =	vshrl.u32 v3, $0x3  }
0x344: {  	v4 =	vmul.u32 $0x30, v40  }
0x345: {  	v3 =	vand.u32 $0x7, v3  }
0x346: {  	v3 =	vor.u32 v3, v4  }
0x347: {  	v4 =	vperm.xlane v3, v0;
	_ =	sdelay $0x1  }
0x348: {  	v4 =	vadd.s32 v1, v4;
	_ =	sdelay $0x3  }
0x349: {  	s29 =	simm.s32 $0x400;
	v3 =	vperm.xlane v3, v2  }
0x34a: {  	[tilespmem:s29], [sflag:$0x1] =	stream.indirect_vreg.gather [hbm4b:s2+s3], $0x80, v4, vm0, $0xb8;
	[tilespmem:$0x18400] =	vst v63  }
0x34b: {  	v3 =	vadd.s32 v1, v3;
	s29 =	simm.s32 $0xC00  }
0x34c: {  	[tilespmem:s29], [sflag:$0x1] =	stream.indirect_vreg.gather [hbm4b:s4+s3], $0x80, v4, vm0, $0xb8;
	[tilespmem:$0x18400] =	vst v63  }
0x34d: {  	s29 =	simm.s32 $0x1400  }
0x34e: {  	[tilespmem:s29], [sflag:$0x1] =	stream.indirect_vreg.gather [hbm4b:s5+s3], $0x80, v4, vm0, $0xb8;
	[tilespmem:$0x18400] =	vst v63  }
0x34f: {  	s29 =	simm.s32 $0x1C00  }
0x350: {  	[tilespmem:s29], [sflag:$0x1] =	stream.indirect_vreg.gather [hbm4b:s2+s3], $0x80, v3, vm0, $0xb8;
	[tilespmem:$0x18400] =	vst v63  }
0x351: {  	s30 =	simm.s32 $0x2400  }
0x352: {  	[tilespmem:s30], [sflag:$0x1] =	stream.indirect_vreg.gather [hbm4b:s4+s3], $0x80, v3, vm0, $0xb8;
	[tilespmem:$0x18400] =	vst v63  }
0x353: {  	s30 =	simm.s32 $0x2C00  }
0x354: {  	[tilespmem:s30], [sflag:$0x1] =	stream.indirect_vreg.gather [hbm4b:s5+s3], $0x80, v3, vm0, $0xb8;
	[tilespmem:$0x18400] =	vst v63  }
0x355: {  	v3 =	vld [tilespmem:$0x290];
	_ =	sdelay $0x4  }
0x356: {  	v41 =	vshrl.u32 v3, $0x3  }
0x357: {  	v4 =	vmul.u32 $0x30, v41  }
0x358: {  	v3 =	vand.u32 $0x7, v3  }
0x359: {  	v3 =	vor.u32 v3, v4  }
0x35a: {  	v4 =	vperm.xlane v3, v0;
	_ =	sdelay $0x1  }
0x35b: {  	v4 =	vadd.s32 v1, v4;
	_ =	sdelay $0x3  }
0x35c: {  	s30 =	simm.s32 $0x3400;
	v3 =	vperm.xlane v3, v2  }
0x35d: {  	[tilespmem:s30], [sflag:$0x1] =	stream.indirect_vreg.gather [hbm4b:s2+s3], $0x80, v4, vm0, $0xb8;
	[tilespmem:$0x18400] =	vst v63  }
0x35e: {  	v3 =	vadd.s32 v1, v3;
	s30 =	simm.s32 $0x3C00  }
0x35f: {  	[tilespmem:s30], [sflag:$0x1] =	stream.indirect_vreg.gather [hbm4b:s4+s3], $0x80, v4, vm0, $0xb8;
	[tilespmem:$0x18400] =	vst v63  }
0x360: {  	s30 =	simm.s32 $0x4400  }
0x361: {  	[tilespmem:s30], [sflag:$0x1] =	stream.indirect_vreg.gather [hbm4b:s5+s3], $0x80, v4, vm0, $0xb8;
	[tilespmem:$0x18400] =	vst v63  }
0x362: {  	s30 =	simm.s32 $0x4C00  }
0x363: {  	[tilespmem:s30], [sflag:$0x1] =	stream.indirect_vreg.gather [hbm4b:s2+s3], $0x80, v3, vm0, $0xb8;
	[tilespmem:$0x18400] =	vst v63  }
0x364: {  	s30 =	simm.s32 $0x5400  }
0x365: {  	[tilespmem:s30], [sflag:$0x1] =	stream.indirect_vreg.gather [hbm4b:s4+s3], $0x80, v3, vm0, $0xb8;
	[tilespmem:$0x18400] =	vst v63  }
0x366: {  	s30 =	simm.s32 $0x5C00  }
0x367: {  	[tilespmem:s30], [sflag:$0x1] =	stream.indirect_vreg.gather [hbm4b:s5+s3], $0x80, v3, vm0, $0xb8;
	[tilespmem:$0x18400] =	vst v63  }
0x368: {  	_ =	swait.ge [sflag:s1], $0x6000  }
0x369: {  	[sflag:s1] =	ssyncset.done $0x0  }
0x36a: {  	[sflag:s1] =	ssyncadd.s32 $0xFFFFA000  }
0x36b: {  	v3 =	vld [tilespmem:$0x2A0];
	_ =	sdelay $0x4  }
0x36c: {  	v42 =	vshrl.u32 v3, $0x3  }
0x36d: {  	v4 =	vmul.u32 $0x30, v42  }
0x36e: {  	v3 =	vand.u32 $0x7, v3  }
0x36f: {  	v3 =	vor.u32 v3, v4  }
0x370: {  	v4 =	vperm.xlane v3, v0;
	_ =	sdelay $0x1  }
0x371: {  	v4 =	vadd.s32 v1, v4;
	_ =	sdelay $0x3  }
0x372: {  	s30 =	simm.s32 $0x6400;
	v3 =	vperm.xlane v3, v2  }
0x373: {  	[tilespmem:s30], [sflag:$0x2] =	stream.indirect_vreg.gather [hbm4b:s2+s3], $0x80, v4, vm0, $0xb8;
	[tilespmem:$0x18400] =	vst v63  }
0x374: {  	v3 =	vadd.s32 v1, v3;
	s30 =	simm.s32 $0x6C00  }
0x375: {  	[tilespmem:s30], [sflag:$0x2] =	stream.indirect_vreg.gather [hbm4b:s4+s3], $0x80, v4, vm0, $0xb8;
	[tilespmem:$0x18400] =	vst v63  }
0x376: {  	s30 =	simm.s32 $0x7400  }
0x377: {  	[tilespmem:s30], [sflag:$0x2] =	stream.indirect_vreg.gather [hbm4b:s5+s3], $0x80, v4, vm0, $0xb8;
	[tilespmem:$0x18400] =	vst v63  }
0x378: {  	s30 =	simm.s32 $0x7C00  }
0x379: {  	[tilespmem:s30], [sflag:$0x2] =	stream.indirect_vreg.gather [hbm4b:s2+s3], $0x80, v3, vm0, $0xb8;
	[tilespmem:$0x18400] =	vst v63  }
0x37a: {  	s30 =	simm.s32 $0x8400  }
0x37b: {  	[tilespmem:s30], [sflag:$0x2] =	stream.indirect_vreg.gather [hbm4b:s4+s3], $0x80, v3, vm0, $0xb8;
	[tilespmem:$0x18400] =	vst v63  }
0x37c: {  	s31 =	simm.s32 $0x8C00  }
0x37d: {  	[tilespmem:s31], [sflag:$0x2] =	stream.indirect_vreg.gather [hbm4b:s5+s3], $0x80, v3, vm0, $0xb8;
	[tilespmem:$0x18400] =	vst v63  }
0x37e: {  	v3 =	vld [tilespmem:$0x2B0];
	_ =	sdelay $0x4  }
0x37f: {  	v43 =	vshrl.u32 v3, $0x3  }
0x380: {  	v4 =	vmul.u32 $0x30, v43  }
0x381: {  	v3 =	vand.u32 $0x7, v3  }
0x382: {  	v3 =	vor.u32 v3, v4  }
0x383: {  	v4 =	vperm.xlane v3, v0;
	_ =	sdelay $0x1  }
0x384: {  	v4 =	vadd.s32 v1, v4;
	_ =	sdelay $0x3  }
0x385: {  	s31 =	simm.s32 $0x9400;
	v3 =	vperm.xlane v3, v2  }
0x386: {  	[tilespmem:s31], [sflag:$0x2] =	stream.indirect_vreg.gather [hbm4b:s2+s3], $0x80, v4, vm0, $0xb8;
	[tilespmem:$0x18400] =	vst v63  }
0x387: {  	v3 =	vadd.s32 v1, v3;
	s31 =	simm.s32 $0x9C00  }
0x388: {  	[tilespmem:s31], [sflag:$0x2] =	stream.indirect_vreg.gather [hbm4b:s4+s3], $0x80, v4, vm0, $0xb8;
	[tilespmem:$0x18400] =	vst v63  }
0x389: {  	s31 =	simm.s32 $0xA400  }
0x38a: {  	[tilespmem:s31], [sflag:$0x2] =	stream.indirect_vreg.gather [hbm4b:s5+s3], $0x80, v4, vm0, $0xb8;
	[tilespmem:$0x18400] =	vst v63  }
0x38b: {  	s31 =	simm.s32 $0xAC00  }
0x38c: {  	[tilespmem:s31], [sflag:$0x2] =	stream.indirect_vreg.gather [hbm4b:s2+s3], $0x80, v3, vm0, $0xb8;
	[tilespmem:$0x18400] =	vst v63  }
0x38d: {  	s28 =	simm.s32 $0xB400  }
0x38e: {  	[tilespmem:s28], [sflag:$0x2] =	stream.indirect_vreg.gather [hbm4b:s4+s3], $0x80, v3, vm0, $0xb8;
	[tilespmem:$0x18400] =	vst v63  }
0x38f: {  	s26 =	simm.s32 $0xBC00  }
0x390: {  	[tilespmem:s26], [sflag:$0x2] =	stream.indirect_vreg.gather [hbm4b:s5+s3], $0x80, v3, vm0, $0xb8;
	[tilespmem:$0x18400] =	vst v63  }
0x391: {  	_ =	swait.ge [sflag:s7], $0x6000  }
0x392: {  	[sflag:s7] =	ssyncset.done $0x0  }
0x393: {  	[sflag:s7] =	ssyncadd.s32 $0xFFFFA000  }
0x394: {  	v3 =	vld [tilespmem:$0x2C0];
	_ =	sdelay $0x4  }
0x395: {  	v44 =	vshrl.u32 v3, $0x3  }
0x396: {  	v4 =	vmul.u32 $0x30, v44  }
0x397: {  	v3 =	vand.u32 $0x7, v3  }
0x398: {  	v3 =	vor.u32 v3, v4  }
0x399: {  	v4 =	vperm.xlane v3, v0;
	_ =	sdelay $0x1  }
0x39a: {  	v4 =	vadd.s32 v1, v4;
	_ =	sdelay $0x3  }
0x39b: {  	s26 =	simm.s32 $0xC400;
	v3 =	vperm.xlane v3, v2  }
0x39c: {  	[tilespmem:s26], [sflag:$0x3] =	stream.indirect_vreg.gather [hbm4b:s2+s3], $0x80, v4, vm0, $0xb8;
	[tilespmem:$0x18400] =	vst v63  }
0x39d: {  	s25 =	simm.s32 $0xCC00;
	v3 =	vadd.s32 v1, v3  }
0x39e: {  	[tilespmem:s25], [sflag:$0x3] =	stream.indirect_vreg.gather [hbm4b:s4+s3], $0x80, v4, vm0, $0xb8;
	[tilespmem:$0x18400] =	vst v63  }
0x39f: {  	s6 =	simm.s32 $0xD400  }
0x3a0: {  	[tilespmem:s6], [sflag:$0x3] =	stream.indirect_vreg.gather [hbm4b:s5+s3], $0x80, v4, vm0, $0xb8;
	[tilespmem:$0x18400] =	vst v63  }
0x3a1: {  	s10 =	simm.s32 $0xDC00  }
0x3a2: {  	[tilespmem:s10], [sflag:$0x3] =	stream.indirect_vreg.gather [hbm4b:s2+s3], $0x80, v3, vm0, $0xb8;
	[tilespmem:$0x18400] =	vst v63  }
0x3a3: {  	s8 =	simm.s32 $0xE400  }
0x3a4: {  	[tilespmem:s8], [sflag:$0x3] =	stream.indirect_vreg.gather [hbm4b:s4+s3], $0x80, v3, vm0, $0xb8;
	[tilespmem:$0x18400] =	vst v63  }
0x3a5: {  	s10 =	simm.s32 $0xEC00  }
0x3a6: {  	[tilespmem:s10], [sflag:$0x3] =	stream.indirect_vreg.gather [hbm4b:s5+s3], $0x80, v3, vm0, $0xb8;
	[tilespmem:$0x18400] =	vst v63  }
0x3a7: {  	v3 =	vld [tilespmem:$0x2D0];
	_ =	sdelay $0x4  }
0x3a8: {  	v45 =	vshrl.u32 v3, $0x3  }
0x3a9: {  	v4 =	vmul.u32 $0x30, v45  }
0x3aa: {  	v3 =	vand.u32 $0x7, v3  }
0x3ab: {  	v3 =	vor.u32 v3, v4  }
0x3ac: {  	v4 =	vperm.xlane v3, v0;
	_ =	sdelay $0x1  }
0x3ad: {  	v4 =	vadd.s32 v1, v4;
	_ =	sdelay $0x3  }
0x3ae: {  	s10 =	simm.s32 $0xF400;
	v3 =	vperm.xlane v3, v2  }
0x3af: {  	[tilespmem:s10], [sflag:$0x3] =	stream.indirect_vreg.gather [hbm4b:s2+s3], $0x80, v4, vm0, $0xb8;
	[tilespmem:$0x18400] =	vst v63  }
0x3b0: {  	s12 =	simm.s32 $0xFC00;
	v3 =	vadd.s32 v1, v3  }
0x3b1: {  	[tilespmem:s12], [sflag:$0x3] =	stream.indirect_vreg.gather [hbm4b:s4+s3], $0x80, v4, vm0, $0xb8;
	[tilespmem:$0x18400] =	vst v63  }
0x3b2: {  	s9 =	simm.s32 $0x10400  }
0x3b3: {  	[tilespmem:s9], [sflag:$0x3] =	stream.indirect_vreg.gather [hbm4b:s5+s3], $0x80, v4, vm0, $0xb8;
	[tilespmem:$0x18400] =	vst v63  }
0x3b4: {  	s14 =	simm.s32 $0x10C00  }
0x3b5: {  	[tilespmem:s14], [sflag:$0x3] =	stream.indirect_vreg.gather [hbm4b:s2+s3], $0x80, v3, vm0, $0xb8;
	[tilespmem:$0x18400] =	vst v63  }
0x3b6: {  	s11 =	simm.s32 $0x11400  }
0x3b7: {  	[tilespmem:s11], [sflag:$0x3] =	stream.indirect_vreg.gather [hbm4b:s4+s3], $0x80, v3, vm0, $0xb8;
	[tilespmem:$0x18400] =	vst v63  }
0x3b8: {  	s12 =	simm.s32 $0x11C00  }
0x3b9: {  	[tilespmem:s12], [sflag:$0x3] =	stream.indirect_vreg.gather [hbm4b:s5+s3], $0x80, v3, vm0, $0xb8;
	[tilespmem:$0x18400] =	vst v63  }
0x3ba: {  	_ =	swait.ge [sflag:s18], $0x6000  }
0x3bb: {  	[sflag:s18] =	ssyncset.done $0x0  }
0x3bc: {  	[sflag:s18] =	ssyncadd.s32 $0xFFFFA000  }
0x3bd: {  	v3 =	vld [tilespmem:$0x2E0];
	_ =	sdelay $0x4  }
0x3be: {  	v46 =	vshrl.u32 v3, $0x3  }
0x3bf: {  	v4 =	vmul.u32 $0x30, v46  }
0x3c0: {  	v3 =	vand.u32 $0x7, v3  }
0x3c1: {  	v3 =	vor.u32 v3, v4  }
0x3c2: {  	v4 =	vperm.xlane v3, v0;
	_ =	sdelay $0x1  }
0x3c3: {  	v4 =	vadd.s32 v1, v4;
	_ =	sdelay $0x3  }
0x3c4: {  	s14 =	simm.s32 $0x12400;
	v3 =	vperm.xlane v3, v2  }
0x3c5: {  	[tilespmem:s14], [sflag:$0x4] =	stream.indirect_vreg.gather [hbm4b:s2+s3], $0x80, v4, vm0, $0xb8;
	[tilespmem:$0x18400] =	vst v63  }
0x3c6: {  	s16 =	simm.s32 $0x12C00;
	v3 =	vadd.s32 v1, v3  }
0x3c7: {  	[tilespmem:s16], [sflag:$0x4] =	stream.indirect_vreg.gather [hbm4b:s4+s3], $0x80, v4, vm0, $0xb8;
	[tilespmem:$0x18400] =	vst v63  }
0x3c8: {  	s13 =	simm.s32 $0x13400  }
0x3c9: {  	[tilespmem:s13], [sflag:$0x4] =	stream.indirect_vreg.gather [hbm4b:s5+s3], $0x80, v4, vm0, $0xb8;
	[tilespmem:$0x18400] =	vst v63  }
0x3ca: {  	s19 =	simm.s32 $0x13C00  }
0x3cb: {  	[tilespmem:s19], [sflag:$0x4] =	stream.indirect_vreg.gather [hbm4b:s2+s3], $0x80, v3, vm0, $0xb8;
	[tilespmem:$0x18400] =	vst v63  }
0x3cc: {  	s15 =	simm.s32 $0x14400  }
0x3cd: {  	[tilespmem:s15], [sflag:$0x4] =	stream.indirect_vreg.gather [hbm4b:s4+s3], $0x80, v3, vm0, $0xb8;
	[tilespmem:$0x18400] =	vst v63  }
0x3ce: {  	s24 =	simm.s32 $0x14C00  }
0x3cf: {  	[tilespmem:s24], [sflag:$0x4] =	stream.indirect_vreg.gather [hbm4b:s5+s3], $0x80, v3, vm0, $0xb8;
	[tilespmem:$0x18400] =	vst v63  }
0x3d0: {  	v3 =	vld [tilespmem:$0x2F0];
	_ =	sdelay $0x4  }
0x3d1: {  	v47 =	vshrl.u32 v3, $0x3  }
0x3d2: {  	v4 =	vmul.u32 $0x30, v47  }
0x3d3: {  	v3 =	vand.u32 $0x7, v3  }
0x3d4: {  	v3 =	vor.u32 v3, v4  }
0x3d5: {  	v4 =	vperm.xlane v3, v0;
	_ =	sdelay $0x1  }
0x3d6: {  	v4 =	vadd.s32 v1, v4;
	_ =	sdelay $0x3  }
0x3d7: {  	s12 =	simm.s32 $0x15400;
	v3 =	vperm.xlane v3, v2  }
0x3d8: {  	[tilespmem:s12], [sflag:$0x4] =	stream.indirect_vreg.gather [hbm4b:s2+s3], $0x80, v4, vm0, $0xb8;
	[tilespmem:$0x18400] =	vst v63  }
0x3d9: {  	s21 =	simm.s32 $0x15C00;
	v3 =	vadd.s32 v1, v3  }
0x3da: {  	[tilespmem:s21], [sflag:$0x4] =	stream.indirect_vreg.gather [hbm4b:s4+s3], $0x80, v4, vm0, $0xb8;
	[tilespmem:$0x18400] =	vst v63  }
0x3db: {  	s17 =	simm.s32 $0x16400  }
0x3dc: {  	[tilespmem:s17], [sflag:$0x4] =	stream.indirect_vreg.gather [hbm4b:s5+s3], $0x80, v4, vm0, $0xb8;
	[tilespmem:$0x18400] =	vst v63  }
0x3dd: {  	s23 =	simm.s32 $0x16C00  }
0x3de: {  	[tilespmem:s23], [sflag:$0x4] =	stream.indirect_vreg.gather [hbm4b:s2+s3], $0x80, v3, vm0, $0xb8;
	[tilespmem:$0x18400] =	vst v63  }
0x3df: {  	s20 =	simm.s32 $0x17400  }
0x3e0: {  	[tilespmem:s20], [sflag:$0x4] =	stream.indirect_vreg.gather [hbm4b:s4+s3], $0x80, v3, vm0, $0xb8;
	[tilespmem:$0x18400] =	vst v63  }
0x3e1: {  	s22 =	simm.s32 $0x17C00  }
0x3e2: {  	[tilespmem:s22], [sflag:$0x4] =	stream.indirect_vreg.gather [hbm4b:s5+s3], $0x80, v3, vm0, $0xb8;
	[tilespmem:$0x18400] =	vst v63  }
0x3e3: {  	_ =	swait.ge [sflag:s0], $0x6000  }
0x3e4: {  	[sflag:s0] =	ssyncset.done $0x0  }
0x3e5: {  	[sflag:s0] =	ssyncadd.s32 $0xFFFFA000  }
0x3e6: {  	v3 =	vld [tilespmem:$0x300];
	_ =	sdelay $0x4  }
0x3e7: {  	v48 =	vshrl.u32 v3, $0x3  }
0x3e8: {  	v4 =	vmul.u32 $0x30, v48  }
0x3e9: {  	v3 =	vand.u32 $0x7, v3  }
0x3ea: {  	v3 =	vor.u32 v3, v4  }
0x3eb: {  	v4 =	vperm.xlane v3, v0;
	_ =	sdelay $0x1  }
0x3ec: {  	v4 =	vadd.s32 v1, v4;
	_ =	sdelay $0x3  }
0x3ed: {  	s13 =	simm.s32 $0x400;
	v3 =	vperm.xlane v3, v2  }
0x3ee: {  	[tilespmem:s13], [sflag:$0x1] =	stream.indirect_vreg.gather [hbm4b:s2+s3], $0x80, v4, vm0, $0xb8;
	[tilespmem:$0x18400] =	vst v63  }
0x3ef: {  	s22 =	simm.s32 $0xC00;
	v3 =	vadd.s32 v1, v3  }
0x3f0: {  	[tilespmem:s22], [sflag:$0x1] =	stream.indirect_vreg.gather [hbm4b:s4+s3], $0x80, v4, vm0, $0xb8;
	[tilespmem:$0x18400] =	vst v63  }
0x3f1: {  	s23 =	simm.s32 $0x1400  }
0x3f2: {  	[tilespmem:s23], [sflag:$0x1] =	stream.indirect_vreg.gather [hbm4b:s5+s3], $0x80, v4, vm0, $0xb8;
	[tilespmem:$0x18400] =	vst v63  }
0x3f3: {  	s24 =	simm.s32 $0x1C00  }
0x3f4: {  	[tilespmem:s24], [sflag:$0x1] =	stream.indirect_vreg.gather [hbm4b:s2+s3], $0x80, v3, vm0, $0xb8;
	[tilespmem:$0x18400] =	vst v63  }
0x3f5: {  	s29 =	simm.s32 $0x2400  }
0x3f6: {  	[tilespmem:s29], [sflag:$0x1] =	stream.indirect_vreg.gather [hbm4b:s4+s3], $0x80, v3, vm0, $0xb8;
	[tilespmem:$0x18400] =	vst v63  }
0x3f7: {  	s12 =	simm.s32 $0x2C00  }
0x3f8: {  	[tilespmem:s12], [sflag:$0x1] =	stream.indirect_vreg.gather [hbm4b:s5+s3], $0x80, v3, vm0, $0xb8;
	[tilespmem:$0x18400] =	vst v63  }
0x3f9: {  	v3 =	vld [tilespmem:$0x310];
	_ =	sdelay $0x4  }
0x3fa: {  	v49 =	vshrl.u32 v3, $0x3  }
0x3fb: {  	v4 =	vmul.u32 $0x30, v49  }
0x3fc: {  	v3 =	vand.u32 $0x7, v3  }
0x3fd: {  	v3 =	vor.u32 v3, v4  }
0x3fe: {  	v4 =	vperm.xlane v3, v0;
	_ =	sdelay $0x1  }
0x3ff: {  	v4 =	vadd.s32 v1, v4;
	_ =	sdelay $0x3  }
0x400: {  	s13 =	simm.s32 $0x3400;
	v3 =	vperm.xlane v3, v2  }
0x401: {  	[tilespmem:s13], [sflag:$0x1] =	stream.indirect_vreg.gather [hbm4b:s2+s3], $0x80, v4, vm0, $0xb8;
	[tilespmem:$0x18400] =	vst v63  }
0x402: {  	s23 =	simm.s32 $0x3C00;
	v3 =	vadd.s32 v1, v3  }
0x403: {  	[tilespmem:s23], [sflag:$0x1] =	stream.indirect_vreg.gather [hbm4b:s4+s3], $0x80, v4, vm0, $0xb8;
	[tilespmem:$0x18400] =	vst v63  }
0x404: {  	s24 =	simm.s32 $0x4400  }
0x405: {  	[tilespmem:s24], [sflag:$0x1] =	stream.indirect_vreg.gather [hbm4b:s5+s3], $0x80, v4, vm0, $0xb8;
	[tilespmem:$0x18400] =	vst v63  }
0x406: {  	s29 =	simm.s32 $0x4C00  }
0x407: {  	[tilespmem:s29], [sflag:$0x1] =	stream.indirect_vreg.gather [hbm4b:s2+s3], $0x80, v3, vm0, $0xb8;
	[tilespmem:$0x18400] =	vst v63  }
0x408: {  	s12 =	simm.s32 $0x5400  }
0x409: {  	[tilespmem:s12], [sflag:$0x1] =	stream.indirect_vreg.gather [hbm4b:s4+s3], $0x80, v3, vm0, $0xb8;
	[tilespmem:$0x18400] =	vst v63  }
0x40a: {  	s13 =	simm.s32 $0x5C00  }
0x40b: {  	[tilespmem:s13], [sflag:$0x1] =	stream.indirect_vreg.gather [hbm4b:s5+s3], $0x80, v3, vm0, $0xb8;
	[tilespmem:$0x18400] =	vst v63  }
0x40c: {  	_ =	swait.ge [sflag:s1], $0x6000  }
0x40d: {  	[sflag:s1] =	ssyncset.done $0x0  }
0x40e: {  	[sflag:s1] =	ssyncadd.s32 $0xFFFFA000  }
0x40f: {  	v3 =	vld [tilespmem:$0x320];
	_ =	sdelay $0x4  }
0x410: {  	v50 =	vshrl.u32 v3, $0x3  }
0x411: {  	v4 =	vmul.u32 $0x30, v50  }
0x412: {  	v3 =	vand.u32 $0x7, v3  }
0x413: {  	v3 =	vor.u32 v3, v4  }
0x414: {  	v4 =	vperm.xlane v3, v0;
	_ =	sdelay $0x1  }
0x415: {  	v4 =	vadd.s32 v1, v4;
	_ =	sdelay $0x3  }
0x416: {  	s23 =	simm.s32 $0x6400;
	v3 =	vperm.xlane v3, v2  }
0x417: {  	[tilespmem:s23], [sflag:$0x2] =	stream.indirect_vreg.gather [hbm4b:s2+s3], $0x80, v4, vm0, $0xb8;
	[tilespmem:$0x18400] =	vst v63  }
0x418: {  	s29 =	simm.s32 $0x6C00;
	v3 =	vadd.s32 v1, v3  }
0x419: {  	[tilespmem:s29], [sflag:$0x2] =	stream.indirect_vreg.gather [hbm4b:s4+s3], $0x80, v4, vm0, $0xb8;
	[tilespmem:$0x18400] =	vst v63  }
0x41a: {  	s12 =	simm.s32 $0x7400  }
0x41b: {  	[tilespmem:s12], [sflag:$0x2] =	stream.indirect_vreg.gather [hbm4b:s5+s3], $0x80, v4, vm0, $0xb8;
	[tilespmem:$0x18400] =	vst v63  }
0x41c: {  	s13 =	simm.s32 $0x7C00  }
0x41d: {  	[tilespmem:s13], [sflag:$0x2] =	stream.indirect_vreg.gather [hbm4b:s2+s3], $0x80, v3, vm0, $0xb8;
	[tilespmem:$0x18400] =	vst v63  }
0x41e: {  	s23 =	simm.s32 $0x8400  }
0x41f: {  	[tilespmem:s23], [sflag:$0x2] =	stream.indirect_vreg.gather [hbm4b:s4+s3], $0x80, v3, vm0, $0xb8;
	[tilespmem:$0x18400] =	vst v63  }
0x420: {  	s29 =	simm.s32 $0x8C00  }
0x421: {  	[tilespmem:s29], [sflag:$0x2] =	stream.indirect_vreg.gather [hbm4b:s5+s3], $0x80, v3, vm0, $0xb8;
	[tilespmem:$0x18400] =	vst v63  }
0x422: {  	v3 =	vld [tilespmem:$0x330];
	_ =	sdelay $0x4  }
0x423: {  	v51 =	vshrl.u32 v3, $0x3  }
0x424: {  	v4 =	vmul.u32 $0x30, v51  }
0x425: {  	v3 =	vand.u32 $0x7, v3  }
0x426: {  	v3 =	vor.u32 v3, v4  }
0x427: {  	v4 =	vperm.xlane v3, v0;
	_ =	sdelay $0x1  }
0x428: {  	v4 =	vadd.s32 v1, v4;
	_ =	sdelay $0x3  }
0x429: {  	s30 =	simm.s32 $0x9400;
	v3 =	vperm.xlane v3, v2  }
0x42a: {  	[tilespmem:s30], [sflag:$0x2] =	stream.indirect_vreg.gather [hbm4b:s2+s3], $0x80, v4, vm0, $0xb8;
	[tilespmem:$0x18400] =	vst v63  }
0x42b: {  	s12 =	simm.s32 $0x9C00;
	v3 =	vadd.s32 v1, v3  }
0x42c: {  	[tilespmem:s12], [sflag:$0x2] =	stream.indirect_vreg.gather [hbm4b:s4+s3], $0x80, v4, vm0, $0xb8;
	[tilespmem:$0x18400] =	vst v63  }
0x42d: {  	s23 =	simm.s32 $0xA400  }
0x42e: {  	[tilespmem:s23], [sflag:$0x2] =	stream.indirect_vreg.gather [hbm4b:s5+s3], $0x80, v4, vm0, $0xb8;
	[tilespmem:$0x18400] =	vst v63  }
0x42f: {  	s30 =	simm.s32 $0xAC00  }
0x430: {  	[tilespmem:s30], [sflag:$0x2] =	stream.indirect_vreg.gather [hbm4b:s2+s3], $0x80, v3, vm0, $0xb8;
	[tilespmem:$0x18400] =	vst v63  }
0x431: {  	s31 =	simm.s32 $0xB400  }
0x432: {  	[tilespmem:s31], [sflag:$0x2] =	stream.indirect_vreg.gather [hbm4b:s4+s3], $0x80, v3, vm0, $0xb8;
	[tilespmem:$0x18400] =	vst v63  }
0x433: {  	s28 =	simm.s32 $0xBC00  }
0x434: {  	[tilespmem:s28], [sflag:$0x2] =	stream.indirect_vreg.gather [hbm4b:s5+s3], $0x80, v3, vm0, $0xb8;
	[tilespmem:$0x18400] =	vst v63  }
0x435: {  	_ =	swait.ge [sflag:s7], $0x6000  }
0x436: {  	[sflag:s7] =	ssyncset.done $0x0  }
0x437: {  	[sflag:s7] =	ssyncadd.s32 $0xFFFFA000  }
0x438: {  	v3 =	vld [tilespmem:$0x340];
	_ =	sdelay $0x4  }
0x439: {  	v52 =	vshrl.u32 v3, $0x3  }
0x43a: {  	v4 =	vmul.u32 $0x30, v52  }
0x43b: {  	v3 =	vand.u32 $0x7, v3  }
0x43c: {  	v3 =	vor.u32 v3, v4  }
0x43d: {  	v4 =	vperm.xlane v3, v0;
	_ =	sdelay $0x1  }
0x43e: {  	v4 =	vadd.s32 v1, v4;
	_ =	sdelay $0x3  }
0x43f: {  	s31 =	simm.s32 $0xC400;
	v3 =	vperm.xlane v3, v2  }
0x440: {  	[tilespmem:s31], [sflag:$0x3] =	stream.indirect_vreg.gather [hbm4b:s2+s3], $0x80, v4, vm0, $0xb8;
	[tilespmem:$0x18400] =	vst v63  }
0x441: {  	s25 =	simm.s32 $0xCC00;
	v3 =	vadd.s32 v1, v3  }
0x442: {  	[tilespmem:s25], [sflag:$0x3] =	stream.indirect_vreg.gather [hbm4b:s4+s3], $0x80, v4, vm0, $0xb8;
	[tilespmem:$0x18400] =	vst v63  }
0x443: {  	s6 =	simm.s32 $0xD400  }
0x444: {  	[tilespmem:s6], [sflag:$0x3] =	stream.indirect_vreg.gather [hbm4b:s5+s3], $0x80, v4, vm0, $0xb8;
	[tilespmem:$0x18400] =	vst v63  }
0x445: {  	s26 =	simm.s32 $0xDC00  }
0x446: {  	[tilespmem:s26], [sflag:$0x3] =	stream.indirect_vreg.gather [hbm4b:s2+s3], $0x80, v3, vm0, $0xb8;
	[tilespmem:$0x18400] =	vst v63  }
0x447: {  	s8 =	simm.s32 $0xE400  }
0x448: {  	[tilespmem:s8], [sflag:$0x3] =	stream.indirect_vreg.gather [hbm4b:s4+s3], $0x80, v3, vm0, $0xb8;
	[tilespmem:$0x18400] =	vst v63  }
0x449: {  	s6 =	simm.s32 $0xEC00  }
0x44a: {  	[tilespmem:s6], [sflag:$0x3] =	stream.indirect_vreg.gather [hbm4b:s5+s3], $0x80, v3, vm0, $0xb8;
	[tilespmem:$0x18400] =	vst v63  }
0x44b: {  	v3 =	vld [tilespmem:$0x350];
	_ =	sdelay $0x4  }
0x44c: {  	v53 =	vshrl.u32 v3, $0x3  }
0x44d: {  	v4 =	vmul.u32 $0x30, v53  }
0x44e: {  	v3 =	vand.u32 $0x7, v3  }
0x44f: {  	v3 =	vor.u32 v3, v4  }
0x450: {  	v4 =	vperm.xlane v3, v0;
	_ =	sdelay $0x1  }
0x451: {  	v4 =	vadd.s32 v1, v4;
	_ =	sdelay $0x3  }
0x452: {  	s26 =	simm.s32 $0xF400;
	v3 =	vperm.xlane v3, v2  }
0x453: {  	[tilespmem:s26], [sflag:$0x3] =	stream.indirect_vreg.gather [hbm4b:s2+s3], $0x80, v4, vm0, $0xb8;
	[tilespmem:$0x18400] =	vst v63  }
0x454: {  	s28 =	simm.s32 $0xFC00;
	v3 =	vadd.s32 v1, v3  }
0x455: {  	[tilespmem:s28], [sflag:$0x3] =	stream.indirect_vreg.gather [hbm4b:s4+s3], $0x80, v4, vm0, $0xb8;
	[tilespmem:$0x18400] =	vst v63  }
0x456: {  	s9 =	simm.s32 $0x10400  }
0x457: {  	[tilespmem:s9], [sflag:$0x3] =	stream.indirect_vreg.gather [hbm4b:s5+s3], $0x80, v4, vm0, $0xb8;
	[tilespmem:$0x18400] =	vst v63  }
0x458: {  	s31 =	simm.s32 $0x10C00  }
0x459: {  	[tilespmem:s31], [sflag:$0x3] =	stream.indirect_vreg.gather [hbm4b:s2+s3], $0x80, v3, vm0, $0xb8;
	[tilespmem:$0x18400] =	vst v63  }
0x45a: {  	s10 =	simm.s32 $0x11400  }
0x45b: {  	[tilespmem:s10], [sflag:$0x3] =	stream.indirect_vreg.gather [hbm4b:s4+s3], $0x80, v3, vm0, $0xb8;
	[tilespmem:$0x18400] =	vst v63  }
0x45c: {  	s6 =	simm.s32 $0x11C00  }
0x45d: {  	[tilespmem:s6], [sflag:$0x3] =	stream.indirect_vreg.gather [hbm4b:s5+s3], $0x80, v3, vm0, $0xb8;
	[tilespmem:$0x18400] =	vst v63  }
0x45e: {  	_ =	swait.ge [sflag:s18], $0x6000  }
0x45f: {  	[sflag:s18] =	ssyncset.done $0x0  }
0x460: {  	[sflag:s18] =	ssyncadd.s32 $0xFFFFA000  }
0x461: {  	v3 =	vld [tilespmem:$0x360];
	_ =	sdelay $0x4  }
0x462: {  	v54 =	vshrl.u32 v3, $0x3  }
0x463: {  	v4 =	vmul.u32 $0x30, v54  }
0x464: {  	v3 =	vand.u32 $0x7, v3  }
0x465: {  	v3 =	vor.u32 v3, v4  }
0x466: {  	v4 =	vperm.xlane v3, v0;
	_ =	sdelay $0x1  }
0x467: {  	v4 =	vadd.s32 v1, v4;
	_ =	sdelay $0x3  }
0x468: {  	s31 =	simm.s32 $0x12400;
	v3 =	vperm.xlane v3, v2  }
0x469: {  	[tilespmem:s31], [sflag:$0x4] =	stream.indirect_vreg.gather [hbm4b:s2+s3], $0x80, v4, vm0, $0xb8;
	[tilespmem:$0x18400] =	vst v63  }
0x46a: {  	s16 =	simm.s32 $0x12C00;
	v3 =	vadd.s32 v1, v3  }
0x46b: {  	[tilespmem:s16], [sflag:$0x4] =	stream.indirect_vreg.gather [hbm4b:s4+s3], $0x80, v4, vm0, $0xb8;
	[tilespmem:$0x18400] =	vst v63  }
0x46c: {  	s14 =	simm.s32 $0x13400  }
0x46d: {  	[tilespmem:s14], [sflag:$0x4] =	stream.indirect_vreg.gather [hbm4b:s5+s3], $0x80, v4, vm0, $0xb8;
	[tilespmem:$0x18400] =	vst v63  }
0x46e: {  	s19 =	simm.s32 $0x13C00  }
0x46f: {  	[tilespmem:s19], [sflag:$0x4] =	stream.indirect_vreg.gather [hbm4b:s2+s3], $0x80, v3, vm0, $0xb8;
	[tilespmem:$0x18400] =	vst v63  }
0x470: {  	s15 =	simm.s32 $0x14400  }
0x471: {  	[tilespmem:s15], [sflag:$0x4] =	stream.indirect_vreg.gather [hbm4b:s4+s3], $0x80, v3, vm0, $0xb8;
	[tilespmem:$0x18400] =	vst v63  }
0x472: {  	s6 =	simm.s32 $0x14C00  }
0x473: {  	[tilespmem:s6], [sflag:$0x4] =	stream.indirect_vreg.gather [hbm4b:s5+s3], $0x80, v3, vm0, $0xb8;
	[tilespmem:$0x18400] =	vst v63  }
0x474: {  	v3 =	vld [tilespmem:$0x370];
	_ =	sdelay $0x4  }
0x475: {  	v55 =	vshrl.u32 v3, $0x3  }
0x476: {  	v4 =	vmul.u32 $0x30, v55  }
0x477: {  	v3 =	vand.u32 $0x7, v3  }
0x478: {  	v3 =	vor.u32 v3, v4  }
0x479: {  	v4 =	vperm.xlane v3, v0;
	_ =	sdelay $0x1  }
0x47a: {  	v4 =	vadd.s32 v1, v4;
	_ =	sdelay $0x3  }
0x47b: {  	s19 =	simm.s32 $0x15400;
	v3 =	vperm.xlane v3, v2  }
0x47c: {  	[tilespmem:s19], [sflag:$0x4] =	stream.indirect_vreg.gather [hbm4b:s2+s3], $0x80, v4, vm0, $0xb8;
	[tilespmem:$0x18400] =	vst v63  }
0x47d: {  	s21 =	simm.s32 $0x15C00;
	v3 =	vadd.s32 v1, v3  }
0x47e: {  	[tilespmem:s21], [sflag:$0x4] =	stream.indirect_vreg.gather [hbm4b:s4+s3], $0x80, v4, vm0, $0xb8;
	[tilespmem:$0x18400] =	vst v63  }
0x47f: {  	s17 =	simm.s32 $0x16400  }
0x480: {  	[tilespmem:s17], [sflag:$0x4] =	stream.indirect_vreg.gather [hbm4b:s5+s3], $0x80, v4, vm0, $0xb8;
	[tilespmem:$0x18400] =	vst v63  }
0x481: {  	s21 =	simm.s32 $0x16C00  }
0x482: {  	[tilespmem:s21], [sflag:$0x4] =	stream.indirect_vreg.gather [hbm4b:s2+s3], $0x80, v3, vm0, $0xb8;
	[tilespmem:$0x18400] =	vst v63  }
0x483: {  	s20 =	simm.s32 $0x17400  }
0x484: {  	[tilespmem:s20], [sflag:$0x4] =	stream.indirect_vreg.gather [hbm4b:s4+s3], $0x80, v3, vm0, $0xb8;
	[tilespmem:$0x18400] =	vst v63  }
0x485: {  	s6 =	simm.s32 $0x17C00  }
0x486: {  	[tilespmem:s6], [sflag:$0x4] =	stream.indirect_vreg.gather [hbm4b:s5+s3], $0x80, v3, vm0, $0xb8;
	[tilespmem:$0x18400] =	vst v63  }
0x487: {  	_ =	swait.ge [sflag:s0], $0x6000  }
0x488: {  	[sflag:s0] =	ssyncset.done $0x0  }
0x489: {  	[sflag:s0] =	ssyncadd.s32 $0xFFFFA000  }
0x48a: {  	v3 =	vld [tilespmem:$0x380];
	_ =	sdelay $0x4  }
0x48b: {  	v56 =	vshrl.u32 v3, $0x3  }
0x48c: {  	v4 =	vmul.u32 $0x30, v56  }
0x48d: {  	v3 =	vand.u32 $0x7, v3  }
0x48e: {  	v3 =	vor.u32 v3, v4  }
0x48f: {  	v4 =	vperm.xlane v3, v0;
	_ =	sdelay $0x1  }
0x490: {  	v4 =	vadd.s32 v1, v4;
	_ =	sdelay $0x3  }
0x491: {  	s6 =	simm.s32 $0x400;
	v3 =	vperm.xlane v3, v2  }
0x492: {  	[tilespmem:s6], [sflag:$0x1] =	stream.indirect_vreg.gather [hbm4b:s2+s3], $0x80, v4, vm0, $0xb8;
	[tilespmem:$0x18400] =	vst v63  }
0x493: {  	v3 =	vadd.s32 v1, v3;
	s6 =	simm.s32 $0xC00  }
0x494: {  	[tilespmem:s6], [sflag:$0x1] =	stream.indirect_vreg.gather [hbm4b:s4+s3], $0x80, v4, vm0, $0xb8;
	[tilespmem:$0x18400] =	vst v63  }
0x495: {  	s6 =	simm.s32 $0x1400  }
0x496: {  	[tilespmem:s6], [sflag:$0x1] =	stream.indirect_vreg.gather [hbm4b:s5+s3], $0x80, v4, vm0, $0xb8;
	[tilespmem:$0x18400] =	vst v63  }
0x497: {  	s6 =	simm.s32 $0x1C00  }
0x498: {  	[tilespmem:s6], [sflag:$0x1] =	stream.indirect_vreg.gather [hbm4b:s2+s3], $0x80, v3, vm0, $0xb8;
	[tilespmem:$0x18400] =	vst v63  }
0x499: {  	s22 =	simm.s32 $0x2400  }
0x49a: {  	[tilespmem:s22], [sflag:$0x1] =	stream.indirect_vreg.gather [hbm4b:s4+s3], $0x80, v3, vm0, $0xb8;
	[tilespmem:$0x18400] =	vst v63  }
0x49b: {  	s22 =	simm.s32 $0x2C00  }
0x49c: {  	[tilespmem:s22], [sflag:$0x1] =	stream.indirect_vreg.gather [hbm4b:s5+s3], $0x80, v3, vm0, $0xb8;
	[tilespmem:$0x18400] =	vst v63  }
0x49d: {  	v3 =	vld [tilespmem:$0x390];
	_ =	sdelay $0x4  }
0x49e: {  	v57 =	vshrl.u32 v3, $0x3  }
0x49f: {  	v4 =	vmul.u32 $0x30, v57  }
0x4a0: {  	v3 =	vand.u32 $0x7, v3  }
0x4a1: {  	v3 =	vor.u32 v3, v4  }
0x4a2: {  	v4 =	vperm.xlane v3, v0;
	_ =	sdelay $0x1  }
0x4a3: {  	v4 =	vadd.s32 v1, v4;
	_ =	sdelay $0x3  }
0x4a4: {  	s6 =	simm.s32 $0x3400;
	v3 =	vperm.xlane v3, v2  }
0x4a5: {  	[tilespmem:s6], [sflag:$0x1] =	stream.indirect_vreg.gather [hbm4b:s2+s3], $0x80, v4, vm0, $0xb8;
	[tilespmem:$0x18400] =	vst v63  }
0x4a6: {  	v3 =	vadd.s32 v1, v3;
	s6 =	simm.s32 $0x3C00  }
0x4a7: {  	[tilespmem:s6], [sflag:$0x1] =	stream.indirect_vreg.gather [hbm4b:s4+s3], $0x80, v4, vm0, $0xb8;
	[tilespmem:$0x18400] =	vst v63  }
0x4a8: {  	s24 =	simm.s32 $0x4400  }
0x4a9: {  	[tilespmem:s24], [sflag:$0x1] =	stream.indirect_vreg.gather [hbm4b:s5+s3], $0x80, v4, vm0, $0xb8;
	[tilespmem:$0x18400] =	vst v63  }
0x4aa: {  	s24 =	simm.s32 $0x4C00  }
0x4ab: {  	[tilespmem:s24], [sflag:$0x1] =	stream.indirect_vreg.gather [hbm4b:s2+s3], $0x80, v3, vm0, $0xb8;
	[tilespmem:$0x18400] =	vst v63  }
0x4ac: {  	s6 =	simm.s32 $0x5400  }
0x4ad: {  	[tilespmem:s6], [sflag:$0x1] =	stream.indirect_vreg.gather [hbm4b:s4+s3], $0x80, v3, vm0, $0xb8;
	[tilespmem:$0x18400] =	vst v63  }
0x4ae: {  	s24 =	simm.s32 $0x5C00  }
0x4af: {  	[tilespmem:s24], [sflag:$0x1] =	stream.indirect_vreg.gather [hbm4b:s5+s3], $0x80, v3, vm0, $0xb8;
	[tilespmem:$0x18400] =	vst v63  }
0x4b0: {  	_ =	swait.ge [sflag:s1], $0x6000  }
0x4b1: {  	[sflag:s1] =	ssyncset.done $0x0  }
0x4b2: {  	[sflag:s1] =	ssyncadd.s32 $0xFFFFA000  }
0x4b3: {  	v3 =	vld [tilespmem:$0x3A0];
	_ =	sdelay $0x4  }
0x4b4: {  	v58 =	vshrl.u32 v3, $0x3  }
0x4b5: {  	v4 =	vmul.u32 $0x30, v58  }
0x4b6: {  	v3 =	vand.u32 $0x7, v3  }
0x4b7: {  	v3 =	vor.u32 v3, v4  }
0x4b8: {  	v4 =	vperm.xlane v3, v0;
	_ =	sdelay $0x1  }
0x4b9: {  	v4 =	vadd.s32 v1, v4;
	_ =	sdelay $0x3  }
0x4ba: {  	s6 =	simm.s32 $0x6400;
	v3 =	vperm.xlane v3, v2  }
0x4bb: {  	[tilespmem:s6], [sflag:$0x2] =	stream.indirect_vreg.gather [hbm4b:s2+s3], $0x80, v4, vm0, $0xb8;
	[tilespmem:$0x18400] =	vst v63  }
0x4bc: {  	s24 =	simm.s32 $0x6C00;
	v3 =	vadd.s32 v1, v3  }
0x4bd: {  	[tilespmem:s24], [sflag:$0x2] =	stream.indirect_vreg.gather [hbm4b:s4+s3], $0x80, v4, vm0, $0xb8;
	[tilespmem:$0x18400] =	vst v63  }
0x4be: {  	s6 =	simm.s32 $0x7400  }
0x4bf: {  	[tilespmem:s6], [sflag:$0x2] =	stream.indirect_vreg.gather [hbm4b:s5+s3], $0x80, v4, vm0, $0xb8;
	[tilespmem:$0x18400] =	vst v63  }
0x4c0: {  	s24 =	simm.s32 $0x7C00  }
0x4c1: {  	[tilespmem:s24], [sflag:$0x2] =	stream.indirect_vreg.gather [hbm4b:s2+s3], $0x80, v3, vm0, $0xb8;
	[tilespmem:$0x18400] =	vst v63  }
0x4c2: {  	s6 =	simm.s32 $0x8400  }
0x4c3: {  	[tilespmem:s6], [sflag:$0x2] =	stream.indirect_vreg.gather [hbm4b:s4+s3], $0x80, v3, vm0, $0xb8;
	[tilespmem:$0x18400] =	vst v63  }
0x4c4: {  	s13 =	simm.s32 $0x8C00  }
0x4c5: {  	[tilespmem:s13], [sflag:$0x2] =	stream.indirect_vreg.gather [hbm4b:s5+s3], $0x80, v3, vm0, $0xb8;
	[tilespmem:$0x18400] =	vst v63  }
0x4c6: {  	v3 =	vld [tilespmem:$0x3B0];
	_ =	sdelay $0x4  }
0x4c7: {  	v59 =	vshrl.u32 v3, $0x3  }
0x4c8: {  	v4 =	vmul.u32 $0x30, v59  }
0x4c9: {  	v3 =	vand.u32 $0x7, v3  }
0x4ca: {  	v3 =	vor.u32 v3, v4  }
0x4cb: {  	v4 =	vperm.xlane v3, v0;
	_ =	sdelay $0x1  }
0x4cc: {  	v4 =	vadd.s32 v1, v4;
	_ =	sdelay $0x3  }
0x4cd: {  	s29 =	simm.s32 $0x9400;
	v3 =	vperm.xlane v3, v2  }
0x4ce: {  	[tilespmem:s29], [sflag:$0x2] =	stream.indirect_vreg.gather [hbm4b:s2+s3], $0x80, v4, vm0, $0xb8;
	[tilespmem:$0x18400] =	vst v63  }
0x4cf: {  	s24 =	simm.s32 $0x9C00;
	v3 =	vadd.s32 v1, v3  }
0x4d0: {  	[tilespmem:s24], [sflag:$0x2] =	stream.indirect_vreg.gather [hbm4b:s4+s3], $0x80, v4, vm0, $0xb8;
	[tilespmem:$0x18400] =	vst v63  }
0x4d1: {  	s29 =	simm.s32 $0xA400  }
0x4d2: {  	[tilespmem:s29], [sflag:$0x2] =	stream.indirect_vreg.gather [hbm4b:s5+s3], $0x80, v4, vm0, $0xb8;
	[tilespmem:$0x18400] =	vst v63  }
0x4d3: {  	s6 =	simm.s32 $0xAC00  }
0x4d4: {  	[tilespmem:s6], [sflag:$0x2] =	stream.indirect_vreg.gather [hbm4b:s2+s3], $0x80, v3, vm0, $0xb8;
	[tilespmem:$0x18400] =	vst v63  }
0x4d5: {  	s12 =	simm.s32 $0xB400  }
0x4d6: {  	[tilespmem:s12], [sflag:$0x2] =	stream.indirect_vreg.gather [hbm4b:s4+s3], $0x80, v3, vm0, $0xb8;
	[tilespmem:$0x18400] =	vst v63  }
0x4d7: {  	s11 =	simm.s32 $0xBC00  }
0x4d8: {  	[tilespmem:s11], [sflag:$0x2] =	stream.indirect_vreg.gather [hbm4b:s5+s3], $0x80, v3, vm0, $0xb8;
	[tilespmem:$0x18400] =	vst v63  }
0x4d9: {  	_ =	swait.ge [sflag:s7], $0x6000  }
0x4da: {  	[sflag:s7] =	ssyncset.done $0x0  }
0x4db: {  	[sflag:s7] =	ssyncadd.s32 $0xFFFFA000  }
0x4dc: {  	v3 =	vld [tilespmem:$0x3C0];
	_ =	sdelay $0x4  }
0x4dd: {  	v60 =	vshrl.u32 v3, $0x3  }
0x4de: {  	v4 =	vmul.u32 $0x30, v60  }
0x4df: {  	v3 =	vand.u32 $0x7, v3  }
0x4e0: {  	v3 =	vor.u32 v3, v4  }
0x4e1: {  	v4 =	vperm.xlane v3, v0;
	_ =	sdelay $0x1  }
0x4e2: {  	v4 =	vadd.s32 v1, v4;
	_ =	sdelay $0x3  }
0x4e3: {  	s13 =	simm.s32 $0xC400;
	v3 =	vperm.xlane v3, v2  }
0x4e4: {  	[tilespmem:s13], [sflag:$0x3] =	stream.indirect_vreg.gather [hbm4b:s2+s3], $0x80, v4, vm0, $0xb8;
	[tilespmem:$0x18400] =	vst v63  }
0x4e5: {  	s30 =	simm.s32 $0xCC00;
	v3 =	vadd.s32 v1, v3  }
0x4e6: {  	[tilespmem:s30], [sflag:$0x3] =	stream.indirect_vreg.gather [hbm4b:s4+s3], $0x80, v4, vm0, $0xb8;
	[tilespmem:$0x18400] =	vst v63  }
0x4e7: {  	s23 =	simm.s32 $0xD400  }
0x4e8: {  	[tilespmem:s23], [sflag:$0x3] =	stream.indirect_vreg.gather [hbm4b:s5+s3], $0x80, v4, vm0, $0xb8;
	[tilespmem:$0x18400] =	vst v63  }
0x4e9: {  	s25 =	simm.s32 $0xDC00  }
0x4ea: {  	[tilespmem:s25], [sflag:$0x3] =	stream.indirect_vreg.gather [hbm4b:s2+s3], $0x80, v3, vm0, $0xb8;
	[tilespmem:$0x18400] =	vst v63  }
0x4eb: {  	s22 =	simm.s32 $0xE400  }
0x4ec: {  	[tilespmem:s22], [sflag:$0x3] =	stream.indirect_vreg.gather [hbm4b:s4+s3], $0x80, v3, vm0, $0xb8;
	[tilespmem:$0x18400] =	vst v63  }
0x4ed: {  	s24 =	simm.s32 $0xEC00  }
0x4ee: {  	[tilespmem:s24], [sflag:$0x3] =	stream.indirect_vreg.gather [hbm4b:s5+s3], $0x80, v3, vm0, $0xb8;
	[tilespmem:$0x18400] =	vst v63  }
0x4ef: {  	v3 =	vld [tilespmem:$0x3D0];
	_ =	sdelay $0x4  }
0x4f0: {  	v61 =	vshrl.u32 v3, $0x3  }
0x4f1: {  	v4 =	vmul.u32 $0x30, v61  }
0x4f2: {  	v3 =	vand.u32 $0x7, v3  }
0x4f3: {  	v3 =	vor.u32 v3, v4  }
0x4f4: {  	v4 =	vperm.xlane v3, v0;
	_ =	sdelay $0x1  }
0x4f5: {  	v4 =	vadd.s32 v1, v4;
	_ =	sdelay $0x3  }
0x4f6: {  	s25 =	simm.s32 $0xF400;
	v3 =	vperm.xlane v3, v2  }
0x4f7: {  	[tilespmem:s25], [sflag:$0x3] =	stream.indirect_vreg.gather [hbm4b:s2+s3], $0x80, v4, vm0, $0xb8;
	[tilespmem:$0x18400] =	vst v63  }
0x4f8: {  	s26 =	simm.s32 $0xFC00;
	v3 =	vadd.s32 v1, v3  }
0x4f9: {  	[tilespmem:s26], [sflag:$0x3] =	stream.indirect_vreg.gather [hbm4b:s4+s3], $0x80, v4, vm0, $0xb8;
	[tilespmem:$0x18400] =	vst v63  }
0x4fa: {  	s8 =	simm.s32 $0x10400  }
0x4fb: {  	[tilespmem:s8], [sflag:$0x3] =	stream.indirect_vreg.gather [hbm4b:s5+s3], $0x80, v4, vm0, $0xb8;
	[tilespmem:$0x18400] =	vst v63  }
0x4fc: {  	s28 =	simm.s32 $0x10C00  }
0x4fd: {  	[tilespmem:s28], [sflag:$0x3] =	stream.indirect_vreg.gather [hbm4b:s2+s3], $0x80, v3, vm0, $0xb8;
	[tilespmem:$0x18400] =	vst v63  }
0x4fe: {  	s9 =	simm.s32 $0x11400  }
0x4ff: {  	[tilespmem:s9], [sflag:$0x3] =	stream.indirect_vreg.gather [hbm4b:s4+s3], $0x80, v3, vm0, $0xb8;
	[tilespmem:$0x18400] =	vst v63  }
0x500: {  	s28 =	simm.s32 $0x11C00  }
0x501: {  	[tilespmem:s28], [sflag:$0x3] =	stream.indirect_vreg.gather [hbm4b:s5+s3], $0x80, v3, vm0, $0xb8;
	[tilespmem:$0x18400] =	vst v63  }
0x502: {  	s23 =	rddreg [dreg:$0x6];
	_ =	swait.ge [sflag:s18], $0x6000  }
0x503: {  	[sflag:s18] =	ssyncset.done $0x0  }
0x504: {  	[sflag:s18] =	ssyncadd.s32 $0xFFFFA000  }
0x505: {  	v3 =	vld [tilespmem:$0x3E0];
	_ =	sdelay $0x4  }
0x506: {  	v62 =	vshrl.u32 v3, $0x3  }
0x507: {  	v4 =	vmul.u32 $0x30, v62  }
0x508: {  	v3 =	vand.u32 $0x7, v3  }
0x509: {  	v3 =	vor.u32 v3, v4  }
0x50a: {  	v4 =	vperm.xlane v3, v0;
	_ =	sdelay $0x1  }
0x50b: {  	v4 =	vadd.s32 v1, v4;
	_ =	sdelay $0x3  }
0x50c: {  	s29 =	simm.s32 $0x12400;
	v3 =	vperm.xlane v3, v2  }
0x50d: {  	[tilespmem:s29], [sflag:$0x4] =	stream.indirect_vreg.gather [hbm4b:s2+s3], $0x80, v4, vm0, $0xb8;
	[tilespmem:$0x18400] =	vst v63  }
0x50e: {  	s31 =	simm.s32 $0x12C00;
	v3 =	vadd.s32 v1, v3  }
0x50f: {  	[tilespmem:s31], [sflag:$0x4] =	stream.indirect_vreg.gather [hbm4b:s4+s3], $0x80, v4, vm0, $0xb8;
	[tilespmem:$0x18400] =	vst v63  }
0x510: {  	s10 =	simm.s32 $0x13400  }
0x511: {  	[tilespmem:s10], [sflag:$0x4] =	stream.indirect_vreg.gather [hbm4b:s5+s3], $0x80, v4, vm0, $0xb8;
	[tilespmem:$0x18400] =	vst v63  }
0x512: {  	s16 =	simm.s32 $0x13C00  }
0x513: {  	[tilespmem:s16], [sflag:$0x4] =	stream.indirect_vreg.gather [hbm4b:s2+s3], $0x80, v3, vm0, $0xb8;
	[tilespmem:$0x18400] =	vst v63  }
0x514: {  	s14 =	simm.s32 $0x14400  }
0x515: {  	[tilespmem:s14], [sflag:$0x4] =	stream.indirect_vreg.gather [hbm4b:s4+s3], $0x80, v3, vm0, $0xb8;
	[tilespmem:$0x18400] =	vst v63  }
0x516: {  	s30 =	simm.s32 $0x14C00  }
0x517: {  	[tilespmem:s30], [sflag:$0x4] =	stream.indirect_vreg.gather [hbm4b:s5+s3], $0x80, v3, vm0, $0xb8;
	[tilespmem:$0x18400] =	vst v63  }
0x518: {  	v3 =	vld [tilespmem:$0x3F0];
	_ =	sdelay $0x4  }
0x519: {  	v63 =	vshrl.u32 v3, $0x3  }
0x51a: {  	v4 =	vmul.u32 $0x30, v63  }
0x51b: {  	v3 =	vand.u32 $0x7, v3  }
0x51c: {  	v3 =	vor.u32 v3, v4  }
0x51d: {  	v4 =	vperm.xlane v3, v0;
	_ =	sdelay $0x1  }
0x51e: {  	v4 =	vadd.s32 v1, v4;
	_ =	sdelay $0x3  }
0x51f: {  	s31 =	simm.s32 $0x15400;
	v3 =	vperm.xlane v3, v2  }
0x520: {  	[tilespmem:s31], [sflag:$0x4] =	stream.indirect_vreg.gather [hbm4b:s2+s3], $0x80, v4, vm0, $0xb8;
	[tilespmem:$0x18400] =	vst v63  }
0x521: {  	s19 =	simm.s32 $0x15C00;
	v3 =	vadd.s32 v1, v3  }
0x522: {  	[tilespmem:s19], [sflag:$0x4] =	stream.indirect_vreg.gather [hbm4b:s4+s3], $0x80, v4, vm0, $0xb8;
	[tilespmem:$0x18400] =	vst v63  }
0x523: {  	s15 =	simm.s32 $0x16400  }
0x524: {  	[tilespmem:s15], [sflag:$0x4] =	stream.indirect_vreg.gather [hbm4b:s5+s3], $0x80, v4, vm0, $0xb8;
	[tilespmem:$0x18400] =	vst v63  }
0x525: {  	s21 =	simm.s32 $0x16C00  }
0x526: {  	[tilespmem:s21], [sflag:$0x4] =	stream.indirect_vreg.gather [hbm4b:s2+s3], $0x80, v3, vm0, $0xb8;
	[tilespmem:$0x18400] =	vst v63  }
0x527: {  	s17 =	simm.s32 $0x17400  }
0x528: {  	[tilespmem:s17], [sflag:$0x4] =	stream.indirect_vreg.gather [hbm4b:s4+s3], $0x80, v3, vm0, $0xb8;
	[tilespmem:$0x18400] =	vst v63  }
0x529: {  	s20 =	simm.s32 $0x17C00  }
0x52a: {  	[tilespmem:s20], [sflag:$0x4] =	stream.indirect_vreg.gather [hbm4b:s5+s3], $0x80, v3, vm0, $0xb8;
	[tilespmem:$0x18400] =	vst v63  }
0x52b: {  	_ =	swait.ge [sflag:s0], $0x6000  }
0x52c: {  	[sflag:s0] =	ssyncset.done $0x0  }
0x52d: {  	[sflag:s0] =	ssyncadd.s32 $0xFFFFA000  }
0x52e: {  	p0 =	sne.s32 s23, $0x1;
	_ =	swait.ge [sflag:s1], $0x6000  }
.Ltmp0:
0x52f: {  	[sflag:s1] =	ssyncset.done $0x0;
	(pc) =	sbr.rel @p0 .LBB2_1-.Ltmp0, $4  }
0x530: {  	[sflag:s1] =	ssyncadd.s32 $0xFFFFA000  }
0x531: {  	_ =	swait.ge [sflag:s7], $0x6000  }
0x532: {  	[sflag:s7] =	ssyncset.done $0x0  }
0x533: {  	s6 =	sadd.s32 $0xFFFFFFFF, s23;
	[sflag:s7] =	ssyncadd.s32 $0xFFFFA000  }
0x534: {  	_ =	sfence.sel $0x180000  }
0x535: {  	[bflag:$0x0] =	sbarrier.arrive $0xFFFF  }
0x536: {  	_ =	strace $0x90000047  }
0x537: {  	s0 =	stileid.u32;
	[bflag:$0x2] =	sbarrier.arrive $0xFFFF  }
0x538: {  	p0 =	sne.s32 s0, $0x0;
	s0 =	rddreg [dreg:$0x2]  }
0x539: {  	s0 =	sadd.s32 @!p0 $0x100000, s0  }
0x53a: {  	[sflag:s0] =	ssyncadd.tile.s32 @!p0 $0x1;
	_ =	shalt  }
.Lfunc_end2:
_tile_overlayer_lowered:
.L_overlay_start_2:
0x53b: {  	(tag) =	ssettag $0x2  }
0x53c: {  	s0 =	rddreg [dreg:$0x0];
	s2 =	stileid.u32  }
0x53d: {  	s1 =	rddreg [dreg:$0x1];
	p0 =	sne.s32 s2, $0x0  }
0x53e: {  	s3 =	rddreg [dreg:$0x2];
	[bflag:$0x3] =	sbarrier.arrive $0xFFFF;
	s2 =	simm.s32 @!p0 $0x1C05  }
0x53f: {  	[timem:s3], [sflag:s2] =	dma.local @!p0 [hbm:s0], s1  }
0x540: {  	s0 =	simm.s32 @!p0 $0x5  }
0x541: {  	_ =	swait.ge @!p0 [sflag:s0], s1  }
0x542: {  	s1 =	ssub.s32 @!p0 $0x0, s1;
	[sflag:s0] =	ssyncset.done @!p0 $0x0  }
0x543: {  	[sflag:s0] =	ssyncadd.s32 @!p0 s1  }
0x544: {  	[bflag:$0x3] =	sbarrier.arrive $0xFFFF  }
0x545: {  	_ =	shalt  }

</sc_bundles>
